<compile_context>
chip_gen: v7x
topology: tpu7x:2x2x1
jax: 0.10.2.dev20260603
libtpu: 0.0.44.dev20260713+nightly
codegen_flags: <defaults>
</compile_context>

<pallas_src>
import functools

import jax
from jax import lax
import jax.numpy as jnp
from jax.experimental import pallas as pl
from jax.experimental.pallas import tpu as pltpu
from jax.experimental.pallas import tpu_sc as plsc

INPUT_SIZE = 16384
NUM_COLUMNS = 2048
CELLS_PER_COLUMN = 32
SYN_PERM_CONNECTED = 0.14
NUM_ACTIVE = 90

TC_COLS = 1024
SC_COLS = NUM_COLUMNS - TC_COLS
NW = 32
VC = SC_COLS // NW

BLOCK_C = 128
TC_GRID = TC_COLS // BLOCK_C
NVREG = INPUT_SIZE // 16
KEY_HI = 1 << 26




def _tc_overlap_kernel(x_ref, perm_ref, out_ref):
    maskf = (x_ref[...] != 0).astype(jnp.float32)
    p = perm_ref[...]
    conn = (p >= SYN_PERM_CONNECTED).astype(jnp.float32)
    out_ref[...] = jax.lax.dot_general(
        conn, maskf,
        dimension_numbers=(((1,), (1,)), ((), ())),
        preferred_element_type=jnp.float32,
    )




def _sc_overlap_body(x_hbm, perm_hbm, out_hbm, x_v, mask_v, b0, b1, cnt_v, s0, s1):
    cid = lax.axis_index("c")
    sid = lax.axis_index("s")
    wid = sid * 2 + cid
    base = wid * VC
    gbase = TC_COLS + base

    pltpu.sync_copy(x_hbm, x_v)

    def mk(j, _):
        xv = x_v[pl.ds(j * 16, 16)]
        mask_v[pl.ds(j * 16, 16)] = jnp.where(
            xv != 0, jnp.float32(1.0), jnp.float32(0.0)
        )
        return 0

    lax.fori_loop(0, NVREG, mk, 0, unroll=4)

    def cp(r, buf, sem):
        return pltpu.make_async_copy(perm_hbm.at[pl.ds(gbase + r, 1)], buf, sem)

    cp(0, b0, s0).start()
    cp(1, b1, s1).start()

    zero16 = jnp.zeros((16,), jnp.float32)

    def compute(buf):
        def inner(j, acc):
            p = buf[0, pl.ds(j * 16, 16)]
            m = mask_v[pl.ds(j * 16, 16)]
            return acc + jnp.where(p >= SYN_PERM_CONNECTED, m, zero16)

        return lax.fori_loop(0, NVREG, inner, zero16, unroll=8)

    def outer(g, _):
        r0 = 2 * g
        cp(r0, b0, s0).wait()
        acc0 = compute(b0)
        cnt_v[pl.ds(r0 * 16, 16)] = acc0

        @pl.when(r0 + 2 < VC)
        def _():
            cp(r0 + 2, b0, s0).start()

        r1 = r0 + 1
        cp(r1, b1, s1).wait()
        acc1 = compute(b1)
        cnt_v[pl.ds(r1 * 16, 16)] = acc1

        @pl.when(r1 + 2 < VC)
        def _():
            cp(r1 + 2, b1, s1).start()

        return 0

    lax.fori_loop(0, VC // 2, outer, 0)
    pltpu.sync_copy(cnt_v, out_hbm.at[pl.ds(base * 16, VC * 16)])


_sc_overlap = functools.partial(
    pl.kernel,
    out_type=jax.ShapeDtypeStruct((SC_COLS * 16,), jnp.float32),
    mesh=plsc.VectorSubcoreMesh(core_axis_name="c", subcore_axis_name="s"),
    scratch_types=[
        pltpu.VMEM((INPUT_SIZE,), jnp.int32),
        pltpu.VMEM((INPUT_SIZE,), jnp.float32),
        pltpu.VMEM((1, INPUT_SIZE), jnp.float32),
        pltpu.VMEM((1, INPUT_SIZE), jnp.float32),
        pltpu.VMEM((VC * 16,), jnp.float32),
        pltpu.SemaphoreType.DMA,
        pltpu.SemaphoreType.DMA,
    ],
)(_sc_overlap_body)




def _merge_kernel(tc_ref, sc_ref, boost_ref, out_ref):
    c_tc = tc_ref[...]
    c_sc = jnp.sum(sc_ref[...], axis=1, keepdims=True)
    counts = jnp.concatenate([c_tc, c_sc], axis=0)
    boosted = counts * boost_ref[...]
    ids = jax.lax.broadcasted_iota(jnp.int32, (NUM_COLUMNS, 1), 0)
    keys = boosted.astype(jnp.int32) * NUM_COLUMNS + (NUM_COLUMNS - 1 - ids)

    def body(_, carry):
        lo, hi = carry
        mid = (lo + hi) // 2
        cnt = jnp.sum((keys >= mid).astype(jnp.int32))
        big = cnt >= NUM_ACTIVE
        return jnp.where(big, mid, lo), jnp.where(big, hi, mid)

    lo, _ = jax.lax.fori_loop(0, 26, body, (jnp.int32(0), jnp.int32(KEY_HI)))
    active = (keys >= lo).astype(jnp.float32)
    out_ref[...] = jnp.broadcast_to(active, (NUM_COLUMNS, CELLS_PER_COLUMN))


@jax.jit
def _htm(x, permanences, boost):
    x2d = x.reshape(1, INPUT_SIZE)
    sc_part = _sc_overlap(x, permanences).reshape(SC_COLS, 16)
    tc_counts = pl.pallas_call(
        _tc_overlap_kernel,
        grid=(TC_GRID,),
        in_specs=[
            pl.BlockSpec((1, INPUT_SIZE), lambda i: (0, 0)),
            pl.BlockSpec((BLOCK_C, INPUT_SIZE), lambda i: (i, 0)),
        ],
        out_specs=pl.BlockSpec((BLOCK_C, 1), lambda i: (i, 0)),
        out_shape=jax.ShapeDtypeStruct((TC_COLS, 1), jnp.float32),
    )(x2d, permanences)

    cells = pl.pallas_call(
        _merge_kernel,
        in_specs=[
            pl.BlockSpec((TC_COLS, 1), lambda: (0, 0)),
            pl.BlockSpec((SC_COLS, 16), lambda: (0, 0)),
            pl.BlockSpec((NUM_COLUMNS, 1), lambda: (0, 0)),
        ],
        out_specs=pl.BlockSpec((NUM_COLUMNS, CELLS_PER_COLUMN), lambda: (0, 0)),
        out_shape=jax.ShapeDtypeStruct((NUM_COLUMNS, CELLS_PER_COLUMN), jnp.float32),
    )(tc_counts, sc_part, boost.reshape(NUM_COLUMNS, 1))
    return cells.reshape(NUM_COLUMNS * CELLS_PER_COLUMN)


def kernel(x, permanences, boost):
    active_cells = _htm(x, permanences, boost)
    return active_cells, jnp.float32(1.0)

# --- scband reference (transcript-rebuilt; emitter-appended) ---
"""Pipeline reference for scband-htmlayer-27522150433476 (READ-ONLY COPY).

The authoritative reference and input builder live on the scoring server;
editing this copy changes nothing except your own understanding.
"""

import jax, jax.numpy as jnp
import numpy as np

INPUT_SIZE = 16384
NUM_COLUMNS = 2048
CELLS_PER_COLUMN = 32
POTENTIAL_PCT = 0.85
SYN_PERM_CONNECTED = 0.14
LOCAL_AREA_DENSITY = 0.04395604395604396
NUM_ACTIVE = int(round(LOCAL_AREA_DENSITY * NUM_COLUMNS))  # ~90 winning columns


def setup_inputs(seed: int = 0) -> dict:
    key = jax.random.key(seed)
    k1, k2, k3 = jax.random.split(key, 3)
    # encoder output tensor; tensor_to_sdr treats nonzero entries as active bits
    x = jax.random.randint(k1, (INPUT_SIZE,), 0, 2, dtype=jnp.int32)
    # SpatialPooler proximal synapse permanences: each column samples
    # potentialPct of the input space (potentialRadius == inputSize, wrapAround)
    potential = (jax.random.uniform(k2, (NUM_COLUMNS, INPUT_SIZE)) < POTENTIAL_PCT).astype(jnp.float32)
    permanences = jax.random.uniform(k3, (NUM_COLUMNS, INPUT_SIZE), dtype=jnp.float32) * potential
    # boost factors start at 1.0 (boostStrength shapes them only after learning)
    boost = jnp.ones((NUM_COLUMNS,), dtype=jnp.float32)
    return {"x": x, "permanences": permanences, "boost": boost}


def reference(x, permanences, boost):
    # ---- utils.tensor_to_sdr: active bits are nonzero entries ----
    active_input = (x != 0).astype(jnp.float32)
    # ---- SpatialPooler.compute (inference step) ----
    # overlap[c] = number of CONNECTED synapses (perm >= synPermConnected)
    # whose presynaptic input bit is active
    connected = (permanences >= SYN_PERM_CONNECTED).astype(jnp.float32)
    overlaps = connected @ active_input              # [NUM_COLUMNS]
    boosted = overlaps * boost
    # global inhibition: top localAreaDensity*numColumns columns win
    _, top_idx = jax.lax.top_k(boosted, NUM_ACTIVE)
    active_cols = jnp.zeros((NUM_COLUMNS,), dtype=jnp.float32).at[top_idx].set(1.0)
    # ---- TemporalMemory.compute (first step, no prior predictive state) ----
    # every active column bursts: all cellsPerColumn cells become active
    active_cells = jnp.repeat(active_cols, CELLS_PER_COLUMN)  # [NUM_COLUMNS*CELLS_PER_COLUMN]
    # anomaly = fraction of active columns that were NOT predicted -> 1.0 (nothing predicted)
    anomaly = jnp.float32(1.0)
    # utils.sdr_to_tensor(getActiveCells()) -> dense binary cell tensor
    return active_cells, anomaly

if __name__ == "__main__":
    import jax
    _d = setup_inputs()
    print(jax.jit(kernel)(*tuple(_d.values())))

</pallas_src>

<mosaic_0001>
#map = affine_map<(d0, d1) -> (0)>
#map1 = affine_map<(d0, d1) -> (0, 0)>
module attributes {stable_mosaic.version = 14 : i64} {
  func.func @_sc_overlap_body(%arg0: i32, %arg1: i32, %arg2: memref<16384xi32, #tpu.memory_space<hbm>>, %arg3: memref<2048x16384xf32, #tpu.memory_space<hbm>>, %arg4: memref<16384xf32, #tpu.memory_space<hbm>>, %arg5: memref<16384xi32, #tpu.memory_space<vmem>>, %arg6: memref<16384xf32, #tpu.memory_space<vmem>>, %arg7: memref<1x16384xf32, #tpu.memory_space<vmem>>, %arg8: memref<1x16384xf32, #tpu.memory_space<vmem>>, %arg9: memref<512xf32, #tpu.memory_space<vmem>>, %arg10: memref<!tpu.dma_semaphore, #tpu.memory_space<semaphore_mem>>, %arg11: memref<!tpu.dma_semaphore, #tpu.memory_space<semaphore_mem>>) attributes {dimension_semantics = [#tpu.dimension_semantics<core_parallel>, #tpu.dimension_semantics<subcore_parallel>], iteration_bounds = array<i64: 2, 16>, scalar_prefetch = 0 : i64, scratch_operands = 7 : i64, tpu.core_type = #tpu.core_type<sc_vector_subcore>, window_params = [{transform_indices = #map}, {transform_indices = #map1}, {transform_indices = #map}]} {
    %mul3A = arith.constant 2 : i32
    %mul3A_0 = arith.muli %arg1, %mul3A : i32
    %add3A = arith.addi %mul3A_0, %arg0 : i32
    %mul3A_1 = arith.constant 32 : i32
    %mul3A_2 = arith.muli %add3A, %mul3A_1 : i32
    %add3A_3 = arith.constant 1024 : i32
    %add3A_4 = arith.addi %add3A_3, %mul3A_2 : i32
    "tpu.region"() ({
      %run_scoped3A = tpu.sem_alloc : memref<!tpu.dma_semaphore, #tpu.memory_space<semaphore_mem>>
      tpu.enqueue_dma source(%arg2 : memref<16384xi32, #tpu.memory_space<hbm>>) target(%arg5 : memref<16384xi32, #tpu.memory_space<vmem>>) target_semaphore(%run_scoped3A : memref<!tpu.dma_semaphore, #tpu.memory_space<semaphore_mem>>)
      tpu.wait_dma2 semaphore(%run_scoped3A : memref<!tpu.dma_semaphore, #tpu.memory_space<semaphore_mem>>) src(%arg2 : memref<16384xi32, #tpu.memory_space<hbm>>) dst(%arg5 : memref<16384xi32, #tpu.memory_space<vmem>>)
      tpu.yield
    }) : () -> ()
    %scan3A = arith.constant 0 : i32
    %scan3A_5 = arith.constant 0 : i32
    %scan3A_6 = arith.constant 1024 : i32
    %scan3A_7 = arith.addi %scan3A_5, %scan3A_6 : i32
    %scan3A_8 = arith.constant 4 : i32
    %scan3A_9 = scf.for %scan3A_32 = %scan3A_5 to %scan3A_7 step %scan3A_8 iter_args(%scan3A_33 = %scan3A) -> (i32)  : i32 {
      %mul3A_34 = arith.constant 16 : i32
      %mul3A_35 = arith.muli %scan3A_32, %mul3A_34 : i32
      %get3A = arith.index_cast %mul3A_35 : i32 to index
      %get3A_36 = tpu.vector_load %arg5[%get3A] {strides = array<i32>} : memref<16384xi32, #tpu.memory_space<vmem>>, vector<16xi32>,
      %get3A_37 = vector.shape_cast %get3A_36 : vector<16xi32> to vector<16xi32>
      %ne3A = arith.constant 0 : i32
      %ne3A_38 = vector.broadcast %ne3A : i32 to vector<16xi32>
      %ne3A_39 = arith.cmpi ne, %get3A_37, %ne3A_38 : vector<16xi32>
      %jit3A = arith.constant 1.000000e+00 : f32
      %jit3A_40 = arith.constant 0.000000e+00 : f32
      %broadcast_in_dim3A_41 = vector.broadcast %jit3A : f32 to vector<16xf32>
      %broadcast_in_dim3A_42 = vector.broadcast %jit3A_40 : f32 to vector<16xf32>
      %select_n3A = arith.select %ne3A_39, %broadcast_in_dim3A_41, %broadcast_in_dim3A_42 : vector<16xi1>, vector<16xf32>
      %mul3A_43 = arith.constant 16 : i32
      %mul3A_44 = arith.muli %scan3A_32, %mul3A_43 : i32
      %swap3A = arith.index_cast %mul3A_44 : i32 to index
      %swap3A_45 = tpu.vector_load %arg6[%swap3A] {strides = array<i32>} : memref<16384xf32, #tpu.memory_space<vmem>>, vector<16xf32>,
      %swap3A_46 = vector.shape_cast %swap3A_45 : vector<16xf32> to vector<16xf32>
      %swap3A_47 = vector.shape_cast %select_n3A : vector<16xf32> to vector<16xf32>
      tpu.vector_store %arg6[%swap3A], %swap3A_47 {strides = array<i32>} : memref<16384xf32, #tpu.memory_space<vmem>>, vector<16xf32>,
      %scan3A_48 = arith.constant 0 : i32
      %scan3A_49 = arith.constant 1 : i32
      %scan3A_50 = arith.addi %scan3A_32, %scan3A_49 : i32
      %mul3A_51 = arith.constant 16 : i32
      %mul3A_52 = arith.muli %scan3A_50, %mul3A_51 : i32
      %get3A_53 = arith.index_cast %mul3A_52 : i32 to index
      %get3A_54 = tpu.vector_load %arg5[%get3A_53] {strides = array<i32>} : memref<16384xi32, #tpu.memory_space<vmem>>, vector<16xi32>,
      %get3A_55 = vector.shape_cast %get3A_54 : vector<16xi32> to vector<16xi32>
      %ne3A_56 = arith.constant 0 : i32
      %ne3A_57 = vector.broadcast %ne3A_56 : i32 to vector<16xi32>
      %ne3A_58 = arith.cmpi ne, %get3A_55, %ne3A_57 : vector<16xi32>
      %jit3A_59 = arith.constant 1.000000e+00 : f32
      %jit3A_60 = arith.constant 0.000000e+00 : f32
      %broadcast_in_dim3A_61 = vector.broadcast %jit3A_59 : f32 to vector<16xf32>
      %broadcast_in_dim3A_62 = vector.broadcast %jit3A_60 : f32 to vector<16xf32>
      %select_n3A_63 = arith.select %ne3A_58, %broadcast_in_dim3A_61, %broadcast_in_dim3A_62 : vector<16xi1>, vector<16xf32>
      %mul3A_64 = arith.constant 16 : i32
      %mul3A_65 = arith.muli %scan3A_50, %mul3A_64 : i32
      %swap3A_66 = arith.index_cast %mul3A_65 : i32 to index
      %swap3A_67 = tpu.vector_load %arg6[%swap3A_66] {strides = array<i32>} : memref<16384xf32, #tpu.memory_space<vmem>>, vector<16xf32>,
      %swap3A_68 = vector.shape_cast %swap3A_67 : vector<16xf32> to vector<16xf32>
      %swap3A_69 = vector.shape_cast %select_n3A_63 : vector<16xf32> to vector<16xf32>
      tpu.vector_store %arg6[%swap3A_66], %swap3A_69 {strides = array<i32>} : memref<16384xf32, #tpu.memory_space<vmem>>, vector<16xf32>,
      %scan3A_70 = arith.constant 0 : i32
      %scan3A_71 = arith.constant 2 : i32
      %scan3A_72 = arith.addi %scan3A_32, %scan3A_71 : i32
      %mul3A_73 = arith.constant 16 : i32
      %mul3A_74 = arith.muli %scan3A_72, %mul3A_73 : i32
      %get3A_75 = arith.index_cast %mul3A_74 : i32 to index
      %get3A_76 = tpu.vector_load %arg5[%get3A_75] {strides = array<i32>} : memref<16384xi32, #tpu.memory_space<vmem>>, vector<16xi32>,
      %get3A_77 = vector.shape_cast %get3A_76 : vector<16xi32> to vector<16xi32>
      %ne3A_78 = arith.constant 0 : i32
      %ne3A_79 = vector.broadcast %ne3A_78 : i32 to vector<16xi32>
      %ne3A_80 = arith.cmpi ne, %get3A_77, %ne3A_79 : vector<16xi32>
      %jit3A_81 = arith.constant 1.000000e+00 : f32
      %jit3A_82 = arith.constant 0.000000e+00 : f32
      %broadcast_in_dim3A_83 = vector.broadcast %jit3A_81 : f32 to vector<16xf32>
      %broadcast_in_dim3A_84 = vector.broadcast %jit3A_82 : f32 to vector<16xf32>
      %select_n3A_85 = arith.select %ne3A_80, %broadcast_in_dim3A_83, %broadcast_in_dim3A_84 : vector<16xi1>, vector<16xf32>
      %mul3A_86 = arith.constant 16 : i32
      %mul3A_87 = arith.muli %scan3A_72, %mul3A_86 : i32
      %swap3A_88 = arith.index_cast %mul3A_87 : i32 to index
      %swap3A_89 = tpu.vector_load %arg6[%swap3A_88] {strides = array<i32>} : memref<16384xf32, #tpu.memory_space<vmem>>, vector<16xf32>,
      %swap3A_90 = vector.shape_cast %swap3A_89 : vector<16xf32> to vector<16xf32>
      %swap3A_91 = vector.shape_cast %select_n3A_85 : vector<16xf32> to vector<16xf32>
      tpu.vector_store %arg6[%swap3A_88], %swap3A_91 {strides = array<i32>} : memref<16384xf32, #tpu.memory_space<vmem>>, vector<16xf32>,
      %scan3A_92 = arith.constant 0 : i32
      %scan3A_93 = arith.constant 3 : i32
      %scan3A_94 = arith.addi %scan3A_32, %scan3A_93 : i32
      %mul3A_95 = arith.constant 16 : i32
      %mul3A_96 = arith.muli %scan3A_94, %mul3A_95 : i32
      %get3A_97 = arith.index_cast %mul3A_96 : i32 to index
      %get3A_98 = tpu.vector_load %arg5[%get3A_97] {strides = array<i32>} : memref<16384xi32, #tpu.memory_space<vmem>>, vector<16xi32>,
      %get3A_99 = vector.shape_cast %get3A_98 : vector<16xi32> to vector<16xi32>
      %ne3A_100 = arith.constant 0 : i32
      %ne3A_101 = vector.broadcast %ne3A_100 : i32 to vector<16xi32>
      %ne3A_102 = arith.cmpi ne, %get3A_99, %ne3A_101 : vector<16xi32>
      %jit3A_103 = arith.constant 1.000000e+00 : f32
      %jit3A_104 = arith.constant 0.000000e+00 : f32
      %broadcast_in_dim3A_105 = vector.broadcast %jit3A_103 : f32 to vector<16xf32>
      %broadcast_in_dim3A_106 = vector.broadcast %jit3A_104 : f32 to vector<16xf32>
      %select_n3A_107 = arith.select %ne3A_102, %broadcast_in_dim3A_105, %broadcast_in_dim3A_106 : vector<16xi1>, vector<16xf32>
      %mul3A_108 = arith.constant 16 : i32
      %mul3A_109 = arith.muli %scan3A_94, %mul3A_108 : i32
      %swap3A_110 = arith.index_cast %mul3A_109 : i32 to index
      %swap3A_111 = tpu.vector_load %arg6[%swap3A_110] {strides = array<i32>} : memref<16384xf32, #tpu.memory_space<vmem>>, vector<16xf32>,
      %swap3A_112 = vector.shape_cast %swap3A_111 : vector<16xf32> to vector<16xf32>
      %swap3A_113 = vector.shape_cast %select_n3A_107 : vector<16xf32> to vector<16xf32>
      tpu.vector_store %arg6[%swap3A_110], %swap3A_113 {strides = array<i32>} : memref<16384xf32, #tpu.memory_space<vmem>>, vector<16xf32>,
      %scan3A_114 = arith.constant 0 : i32
      scf.yield %scan3A_114 : i32
    }
    %scan3A_10 = arith.constant 1024 : i32
    %add3A_11 = arith.constant 0 : i32
    %add3A_12 = arith.addi %add3A_4, %add3A_11 : i32
    %dma_start3A = arith.constant 0 : i32
    %dma_start3A_13 = tpu.memref_slice %arg3[%add3A_12, %dma_start3A] : memref<2048x16384xf32, #tpu.memory_space<hbm>> -> memref<1x16384xf32, #tpu.memory_space<hbm>>
    %dma_start3A_14 = arith.constant 0 : i32
    %dma_start3A_15 = tpu.memref_slice %arg3[%add3A_12, %dma_start3A_14] : memref<2048x16384xf32, #tpu.memory_space<hbm>> -> memref<1x16384xf32, #tpu.memory_space<hbm>>
    tpu.enqueue_dma source(%dma_start3A_15 : memref<1x16384xf32, #tpu.memory_space<hbm>>) target(%arg7 : memref<1x16384xf32, #tpu.memory_space<vmem>>) target_semaphore(%arg10 : memref<!tpu.dma_semaphore, #tpu.memory_space<semaphore_mem>>)
    %add3A_16 = arith.constant 1 : i32
    %add3A_17 = arith.addi %add3A_4, %add3A_16 : i32
    %dma_start3A_18 = arith.constant 0 : i32
    %dma_start3A_19 = tpu.memref_slice %arg3[%add3A_17, %dma_start3A_18] : memref<2048x16384xf32, #tpu.memory_space<hbm>> -> memref<1x16384xf32, #tpu.memory_space<hbm>>
    %dma_start3A_20 = arith.constant 0 : i32
    %dma_start3A_21 = tpu.memref_slice %arg3[%add3A_17, %dma_start3A_20] : memref<2048x16384xf32, #tpu.memory_space<hbm>> -> memref<1x16384xf32, #tpu.memory_space<hbm>>
    tpu.enqueue_dma source(%dma_start3A_21 : memref<1x16384xf32, #tpu.memory_space<hbm>>) target(%arg8 : memref<1x16384xf32, #tpu.memory_space<vmem>>) target_semaphore(%arg11 : memref<!tpu.dma_semaphore, #tpu.memory_space<semaphore_mem>>)
    %broadcast_in_dim3A = arith.constant 0.000000e+00 : f32
    %broadcast_in_dim3A_22 = vector.broadcast %broadcast_in_dim3A : f32 to vector<16xf32>
    %scan3A_23 = arith.constant 0 : i32
    %scan3A_24 = arith.constant 0 : i32
    %scan3A_25 = arith.constant 16 : i32
    %scan3A_26 = arith.addi %scan3A_24, %scan3A_25 : i32
    %scan3A_27 = arith.constant 1 : i32
    %scan3A_28 = scf.for %scan3A_32 = %scan3A_24 to %scan3A_26 step %scan3A_27 iter_args(%scan3A_33 = %scan3A_23) -> (i32)  : i32 {
      %mul3A_34 = arith.constant 2 : i32
      %mul3A_35 = arith.muli %mul3A_34, %scan3A_32 : i32
      %add3A_36 = arith.addi %add3A_4, %mul3A_35 : i32
      %dma_wait3A = arith.constant 0 : i32
      %dma_wait3A_37 = tpu.memref_slice %arg3[%add3A_36, %dma_wait3A] : memref<2048x16384xf32, #tpu.memory_space<hbm>> -> memref<1x16384xf32, #tpu.memory_space<hbm>>
      %dma_wait3A_38 = arith.constant 0 : i32
      %dma_wait3A_39 = tpu.memref_slice %arg3[%add3A_36, %dma_wait3A_38] : memref<2048x16384xf32, #tpu.memory_space<hbm>> -> memref<1x16384xf32, #tpu.memory_space<hbm>>
      tpu.wait_dma2 semaphore(%arg10 : memref<!tpu.dma_semaphore, #tpu.memory_space<semaphore_mem>>) src(%dma_wait3A_39 : memref<1x16384xf32, #tpu.memory_space<hbm>>) dst(%arg7 : memref<1x16384xf32, #tpu.memory_space<vmem>>)
      %scan3A_40 = arith.constant 0 : i32
      %scan3A_41 = arith.constant 1024 : i32
      %scan3A_42 = arith.addi %scan3A_40, %scan3A_41 : i32
      %scan3A_43 = arith.constant 8 : i32
      %scan3A_44 = scf.for %scan3A_82 = %scan3A_40 to %scan3A_42 step %scan3A_43 iter_args(%scan3A_83 = %broadcast_in_dim3A_22) -> (vector<16xf32>)  : i32 {
        %mul3A_84 = arith.constant 16 : i32
        %mul3A_85 = arith.muli %scan3A_82, %mul3A_84 : i32
        %get3A = arith.constant 0 : i32
        %get3A_86 = arith.index_cast %get3A : i32 to index
        %get3A_87 = arith.index_cast %mul3A_85 : i32 to index
        %get3A_88 = tpu.vector_load %arg7[%get3A_86, %get3A_87] {strides = array<i32>} : memref<1x16384xf32, #tpu.memory_space<vmem>>, vector<1x16xf32>,
        %get3A_89 = vector.shape_cast %get3A_88 : vector<1x16xf32> to vector<16xf32>
        %mul3A_90 = arith.constant 16 : i32
        %mul3A_91 = arith.muli %scan3A_82, %mul3A_90 : i32
        %get3A_92 = arith.index_cast %mul3A_91 : i32 to index
        %get3A_93 = tpu.vector_load %arg6[%get3A_92] {strides = array<i32>} : memref<16384xf32, #tpu.memory_space<vmem>>, vector<16xf32>,
        %get3A_94 = vector.shape_cast %get3A_93 : vector<16xf32> to vector<16xf32>
        %ge3A = arith.constant 1.400000e-01 : f32
        %ge3A_95 = vector.broadcast %ge3A : f32 to vector<16xf32>
        %ge3A_96 = arith.cmpf oge, %get3A_89, %ge3A_95 : vector<16xf32>
        %select_n3A = arith.select %ge3A_96, %get3A_94, %broadcast_in_dim3A_22 : vector<16xi1>, vector<16xf32>
        %add3A_97 = arith.addf %scan3A_83, %select_n3A : vector<16xf32>
        %scan3A_98 = arith.constant 1 : i32
        %scan3A_99 = arith.addi %scan3A_82, %scan3A_98 : i32
        %mul3A_100 = arith.constant 16 : i32
        %mul3A_101 = arith.muli %scan3A_99, %mul3A_100 : i32
        %get3A_102 = arith.constant 0 : i32
        %get3A_103 = arith.index_cast %get3A_102 : i32 to index
        %get3A_104 = arith.index_cast %mul3A_101 : i32 to index
        %get3A_105 = tpu.vector_load %arg7[%get3A_103, %get3A_104] {strides = array<i32>} : memref<1x16384xf32, #tpu.memory_space<vmem>>, vector<1x16xf32>,
        %get3A_106 = vector.shape_cast %get3A_105 : vector<1x16xf32> to vector<16xf32>
        %mul3A_107 = arith.constant 16 : i32
        %mul3A_108 = arith.muli %scan3A_99, %mul3A_107 : i32
        %get3A_109 = arith.index_cast %mul3A_108 : i32 to index
        %get3A_110 = tpu.vector_load %arg6[%get3A_109] {strides = array<i32>} : memref<16384xf32, #tpu.memory_space<vmem>>, vector<16xf32>,
        %get3A_111 = vector.shape_cast %get3A_110 : vector<16xf32> to vector<16xf32>
        %ge3A_112 = arith.constant 1.400000e-01 : f32
        %ge3A_113 = vector.broadcast %ge3A_112 : f32 to vector<16xf32>
        %ge3A_114 = arith.cmpf oge, %get3A_106, %ge3A_113 : vector<16xf32>
        %select_n3A_115 = arith.select %ge3A_114, %get3A_111, %broadcast_in_dim3A_22 : vector<16xi1>, vector<16xf32>
        %add3A_116 = arith.addf %add3A_97, %select_n3A_115 : vector<16xf32>
        %scan3A_117 = arith.constant 2 : i32
        %scan3A_118 = arith.addi %scan3A_82, %scan3A_117 : i32
        %mul3A_119 = arith.constant 16 : i32
        %mul3A_120 = arith.muli %scan3A_118, %mul3A_119 : i32
        %get3A_121 = arith.constant 0 : i32
        %get3A_122 = arith.index_cast %get3A_121 : i32 to index
        %get3A_123 = arith.index_cast %mul3A_120 : i32 to index
        %get3A_124 = tpu.vector_load %arg7[%get3A_122, %get3A_123] {strides = array<i32>} : memref<1x16384xf32, #tpu.memory_space<vmem>>, vector<1x16xf32>,
        %get3A_125 = vector.shape_cast %get3A_124 : vector<1x16xf32> to vector<16xf32>
        %mul3A_126 = arith.constant 16 : i32
        %mul3A_127 = arith.muli %scan3A_118, %mul3A_126 : i32
        %get3A_128 = arith.index_cast %mul3A_127 : i32 to index
        %get3A_129 = tpu.vector_load %arg6[%get3A_128] {strides = array<i32>} : memref<16384xf32, #tpu.memory_space<vmem>>, vector<16xf32>,
        %get3A_130 = vector.shape_cast %get3A_129 : vector<16xf32> to vector<16xf32>
        %ge3A_131 = arith.constant 1.400000e-01 : f32
        %ge3A_132 = vector.broadcast %ge3A_131 : f32 to vector<16xf32>
        %ge3A_133 = arith.cmpf oge, %get3A_125, %ge3A_132 : vector<16xf32>
        %select_n3A_134 = arith.select %ge3A_133, %get3A_130, %broadcast_in_dim3A_22 : vector<16xi1>, vector<16xf32>
        %add3A_135 = arith.addf %add3A_116, %select_n3A_134 : vector<16xf32>
        %scan3A_136 = arith.constant 3 : i32
        %scan3A_137 = arith.addi %scan3A_82, %scan3A_136 : i32
        %mul3A_138 = arith.constant 16 : i32
        %mul3A_139 = arith.muli %scan3A_137, %mul3A_138 : i32
        %get3A_140 = arith.constant 0 : i32
        %get3A_141 = arith.index_cast %get3A_140 : i32 to index
        %get3A_142 = arith.index_cast %mul3A_139 : i32 to index
        %get3A_143 = tpu.vector_load %arg7[%get3A_141, %get3A_142] {strides = array<i32>} : memref<1x16384xf32, #tpu.memory_space<vmem>>, vector<1x16xf32>,
        %get3A_144 = vector.shape_cast %get3A_143 : vector<1x16xf32> to vector<16xf32>
        %mul3A_145 = arith.constant 16 : i32
        %mul3A_146 = arith.muli %scan3A_137, %mul3A_145 : i32
        %get3A_147 = arith.index_cast %mul3A_146 : i32 to index
        %get3A_148 = tpu.vector_load %arg6[%get3A_147] {strides = array<i32>} : memref<16384xf32, #tpu.memory_space<vmem>>, vector<16xf32>,
        %get3A_149 = vector.shape_cast %get3A_148 : vector<16xf32> to vector<16xf32>
        %ge3A_150 = arith.constant 1.400000e-01 : f32
        %ge3A_151 = vector.broadcast %ge3A_150 : f32 to vector<16xf32>
        %ge3A_152 = arith.cmpf oge, %get3A_144, %ge3A_151 : vector<16xf32>
        %select_n3A_153 = arith.select %ge3A_152, %get3A_149, %broadcast_in_dim3A_22 : vector<16xi1>, vector<16xf32>
        %add3A_154 = arith.addf %add3A_135, %select_n3A_153 : vector<16xf32>
        %scan3A_155 = arith.constant 4 : i32
        %scan3A_156 = arith.addi %scan3A_82, %scan3A_155 : i32
        %mul3A_157 = arith.constant 16 : i32
        %mul3A_158 = arith.muli %scan3A_156, %mul3A_157 : i32
        %get3A_159 = arith.constant 0 : i32
        %get3A_160 = arith.index_cast %get3A_159 : i32 to index
        %get3A_161 = arith.index_cast %mul3A_158 : i32 to index
        %get3A_162 = tpu.vector_load %arg7[%get3A_160, %get3A_161] {strides = array<i32>} : memref<1x16384xf32, #tpu.memory_space<vmem>>, vector<1x16xf32>,
        %get3A_163 = vector.shape_cast %get3A_162 : vector<1x16xf32> to vector<16xf32>
        %mul3A_164 = arith.constant 16 : i32
        %mul3A_165 = arith.muli %scan3A_156, %mul3A_164 : i32
        %get3A_166 = arith.index_cast %mul3A_165 : i32 to index
        %get3A_167 = tpu.vector_load %arg6[%get3A_166] {strides = array<i32>} : memref<16384xf32, #tpu.memory_space<vmem>>, vector<16xf32>,
        %get3A_168 = vector.shape_cast %get3A_167 : vector<16xf32> to vector<16xf32>
        %ge3A_169 = arith.constant 1.400000e-01 : f32
        %ge3A_170 = vector.broadcast %ge3A_169 : f32 to vector<16xf32>
        %ge3A_171 = arith.cmpf oge, %get3A_163, %ge3A_170 : vector<16xf32>
        %select_n3A_172 = arith.select %ge3A_171, %get3A_168, %broadcast_in_dim3A_22 : vector<16xi1>, vector<16xf32>
        %add3A_173 = arith.addf %add3A_154, %select_n3A_172 : vector<16xf32>
        %scan3A_174 = arith.constant 5 : i32
        %scan3A_175 = arith.addi %scan3A_82, %scan3A_174 : i32
        %mul3A_176 = arith.constant 16 : i32
        %mul3A_177 = arith.muli %scan3A_175, %mul3A_176 : i32
        %get3A_178 = arith.constant 0 : i32
        %get3A_179 = arith.index_cast %get3A_178 : i32 to index
        %get3A_180 = arith.index_cast %mul3A_177 : i32 to index
        %get3A_181 = tpu.vector_load %arg7[%get3A_179, %get3A_180] {strides = array<i32>} : memref<1x16384xf32, #tpu.memory_space<vmem>>, vector<1x16xf32>,
        %get3A_182 = vector.shape_cast %get3A_181 : vector<1x16xf32> to vector<16xf32>
        %mul3A_183 = arith.constant 16 : i32
        %mul3A_184 = arith.muli %scan3A_175, %mul3A_183 : i32
        %get3A_185 = arith.index_cast %mul3A_184 : i32 to index
        %get3A_186 = tpu.vector_load %arg6[%get3A_185] {strides = array<i32>} : memref<16384xf32, #tpu.memory_space<vmem>>, vector<16xf32>,
        %get3A_187 = vector.shape_cast %get3A_186 : vector<16xf32> to vector<16xf32>
        %ge3A_188 = arith.constant 1.400000e-01 : f32
        %ge3A_189 = vector.broadcast %ge3A_188 : f32 to vector<16xf32>
        %ge3A_190 = arith.cmpf oge, %get3A_182, %ge3A_189 : vector<16xf32>
        %select_n3A_191 = arith.select %ge3A_190, %get3A_187, %broadcast_in_dim3A_22 : vector<16xi1>, vector<16xf32>
        %add3A_192 = arith.addf %add3A_173, %select_n3A_191 : vector<16xf32>
        %scan3A_193 = arith.constant 6 : i32
        %scan3A_194 = arith.addi %scan3A_82, %scan3A_193 : i32
        %mul3A_195 = arith.constant 16 : i32
        %mul3A_196 = arith.muli %scan3A_194, %mul3A_195 : i32
        %get3A_197 = arith.constant 0 : i32
        %get3A_198 = arith.index_cast %get3A_197 : i32 to index
        %get3A_199 = arith.index_cast %mul3A_196 : i32 to index
        %get3A_200 = tpu.vector_load %arg7[%get3A_198, %get3A_199] {strides = array<i32>} : memref<1x16384xf32, #tpu.memory_space<vmem>>, vector<1x16xf32>,
        %get3A_201 = vector.shape_cast %get3A_200 : vector<1x16xf32> to vector<16xf32>
        %mul3A_202 = arith.constant 16 : i32
        %mul3A_203 = arith.muli %scan3A_194, %mul3A_202 : i32
        %get3A_204 = arith.index_cast %mul3A_203 : i32 to index
        %get3A_205 = tpu.vector_load %arg6[%get3A_204] {strides = array<i32>} : memref<16384xf32, #tpu.memory_space<vmem>>, vector<16xf32>,
        %get3A_206 = vector.shape_cast %get3A_205 : vector<16xf32> to vector<16xf32>
        %ge3A_207 = arith.constant 1.400000e-01 : f32
        %ge3A_208 = vector.broadcast %ge3A_207 : f32 to vector<16xf32>
        %ge3A_209 = arith.cmpf oge, %get3A_201, %ge3A_208 : vector<16xf32>
        %select_n3A_210 = arith.select %ge3A_209, %get3A_206, %broadcast_in_dim3A_22 : vector<16xi1>, vector<16xf32>
        %add3A_211 = arith.addf %add3A_192, %select_n3A_210 : vector<16xf32>
        %scan3A_212 = arith.constant 7 : i32
        %scan3A_213 = arith.addi %scan3A_82, %scan3A_212 : i32
        %mul3A_214 = arith.constant 16 : i32
        %mul3A_215 = arith.muli %scan3A_213, %mul3A_214 : i32
        %get3A_216 = arith.constant 0 : i32
        %get3A_217 = arith.index_cast %get3A_216 : i32 to index
        %get3A_218 = arith.index_cast %mul3A_215 : i32 to index
        %get3A_219 = tpu.vector_load %arg7[%get3A_217, %get3A_218] {strides = array<i32>} : memref<1x16384xf32, #tpu.memory_space<vmem>>, vector<1x16xf32>,
        %get3A_220 = vector.shape_cast %get3A_219 : vector<1x16xf32> to vector<16xf32>
        %mul3A_221 = arith.constant 16 : i32
        %mul3A_222 = arith.muli %scan3A_213, %mul3A_221 : i32
        %get3A_223 = arith.index_cast %mul3A_222 : i32 to index
        %get3A_224 = tpu.vector_load %arg6[%get3A_223] {strides = array<i32>} : memref<16384xf32, #tpu.memory_space<vmem>>, vector<16xf32>,
        %get3A_225 = vector.shape_cast %get3A_224 : vector<16xf32> to vector<16xf32>
        %ge3A_226 = arith.constant 1.400000e-01 : f32
        %ge3A_227 = vector.broadcast %ge3A_226 : f32 to vector<16xf32>
        %ge3A_228 = arith.cmpf oge, %get3A_220, %ge3A_227 : vector<16xf32>
        %select_n3A_229 = arith.select %ge3A_228, %get3A_225, %broadcast_in_dim3A_22 : vector<16xi1>, vector<16xf32>
        %add3A_230 = arith.addf %add3A_211, %select_n3A_229 : vector<16xf32>
        scf.yield %add3A_230 : vector<16xf32>
      }
      %scan3A_45 = arith.constant 1024 : i32
      %mul3A_46 = arith.constant 16 : i32
      %mul3A_47 = arith.muli %mul3A_35, %mul3A_46 : i32
      %swap3A = arith.index_cast %mul3A_47 : i32 to index
      %swap3A_48 = tpu.vector_load %arg9[%swap3A] {strides = array<i32>} : memref<512xf32, #tpu.memory_space<vmem>>, vector<16xf32>,
      %swap3A_49 = vector.shape_cast %swap3A_48 : vector<16xf32> to vector<16xf32>
      %swap3A_50 = vector.shape_cast %scan3A_44 : vector<16xf32> to vector<16xf32>
      tpu.vector_store %arg9[%swap3A], %swap3A_50 {strides = array<i32>} : memref<512xf32, #tpu.memory_space<vmem>>, vector<16xf32>,
      %add3A_51 = arith.constant 2 : i32
      %add3A_52 = arith.addi %mul3A_35, %add3A_51 : i32
      %lt3A = arith.constant 32 : i32
      %lt3A_53 = arith.cmpi slt, %add3A_52, %lt3A : i32
      %convert_element_type3A = arith.extui %lt3A_53 : i1 to i32
      %cond3A = arith.constant 0 : i32
      %cond3A_54 = arith.cmpi ne, %convert_element_type3A, %cond3A : i32
      scf.if %cond3A_54 {
        %add3A_82 = arith.constant 2 : i32
        %add3A_83 = arith.addi %mul3A_35, %add3A_82 : i32
        %add3A_84 = arith.addi %add3A_4, %add3A_83 : i32
        %dma_start3A_85 = arith.constant 0 : i32
        %dma_start3A_86 = tpu.memref_slice %arg3[%add3A_84, %dma_start3A_85] : memref<2048x16384xf32, #tpu.memory_space<hbm>> -> memref<1x16384xf32, #tpu.memory_space<hbm>>
        %dma_start3A_87 = arith.constant 0 : i32
        %dma_start3A_88 = tpu.memref_slice %arg3[%add3A_84, %dma_start3A_87] : memref<2048x16384xf32, #tpu.memory_space<hbm>> -> memref<1x16384xf32, #tpu.memory_space<hbm>>
        tpu.enqueue_dma source(%dma_start3A_88 : memref<1x16384xf32, #tpu.memory_space<hbm>>) target(%arg7 : memref<1x16384xf32, #tpu.memory_space<vmem>>) target_semaphore(%arg10 : memref<!tpu.dma_semaphore, #tpu.memory_space<semaphore_mem>>)
      } else {
      }
      %add3A_55 = arith.constant 1 : i32
      %add3A_56 = arith.addi %mul3A_35, %add3A_55 : i32
      %add3A_57 = arith.addi %add3A_4, %add3A_56 : i32
      %dma_wait3A_58 = arith.constant 0 : i32
      %dma_wait3A_59 = tpu.memref_slice %arg3[%add3A_57, %dma_wait3A_58] : memref<2048x16384xf32, #tpu.memory_space<hbm>> -> memref<1x16384xf32, #tpu.memory_space<hbm>>
      %dma_wait3A_60 = arith.constant 0 : i32
      %dma_wait3A_61 = tpu.memref_slice %arg3[%add3A_57, %dma_wait3A_60] : memref<2048x16384xf32, #tpu.memory_space<hbm>> -> memref<1x16384xf32, #tpu.memory_space<hbm>>
      tpu.wait_dma2 semaphore(%arg11 : memref<!tpu.dma_semaphore, #tpu.memory_space<semaphore_mem>>) src(%dma_wait3A_61 : memref<1x16384xf32, #tpu.memory_space<hbm>>) dst(%arg8 : memref<1x16384xf32, #tpu.memory_space<vmem>>)
      %scan3A_62 = arith.constant 0 : i32
      %scan3A_63 = arith.constant 1024 : i32
      %scan3A_64 = arith.addi %scan3A_62, %scan3A_63 : i32
      %scan3A_65 = arith.constant 8 : i32
      %scan3A_66 = scf.for %scan3A_82 = %scan3A_62 to %scan3A_64 step %scan3A_65 iter_args(%scan3A_83 = %broadcast_in_dim3A_22) -> (vector<16xf32>)  : i32 {
        %mul3A_84 = arith.constant 16 : i32
        %mul3A_85 = arith.muli %scan3A_82, %mul3A_84 : i32
        %get3A = arith.constant 0 : i32
        %get3A_86 = arith.index_cast %get3A : i32 to index
        %get3A_87 = arith.index_cast %mul3A_85 : i32 to index
        %get3A_88 = tpu.vector_load %arg8[%get3A_86, %get3A_87] {strides = array<i32>} : memref<1x16384xf32, #tpu.memory_space<vmem>>, vector<1x16xf32>,
        %get3A_89 = vector.shape_cast %get3A_88 : vector<1x16xf32> to vector<16xf32>
        %mul3A_90 = arith.constant 16 : i32
        %mul3A_91 = arith.muli %scan3A_82, %mul3A_90 : i32
        %get3A_92 = arith.index_cast %mul3A_91 : i32 to index
        %get3A_93 = tpu.vector_load %arg6[%get3A_92] {strides = array<i32>} : memref<16384xf32, #tpu.memory_space<vmem>>, vector<16xf32>,
        %get3A_94 = vector.shape_cast %get3A_93 : vector<16xf32> to vector<16xf32>
        %ge3A = arith.constant 1.400000e-01 : f32
        %ge3A_95 = vector.broadcast %ge3A : f32 to vector<16xf32>
        %ge3A_96 = arith.cmpf oge, %get3A_89, %ge3A_95 : vector<16xf32>
        %select_n3A = arith.select %ge3A_96, %get3A_94, %broadcast_in_dim3A_22 : vector<16xi1>, vector<16xf32>
        %add3A_97 = arith.addf %scan3A_83, %select_n3A : vector<16xf32>
        %scan3A_98 = arith.constant 1 : i32
        %scan3A_99 = arith.addi %scan3A_82, %scan3A_98 : i32
        %mul3A_100 = arith.constant 16 : i32
        %mul3A_101 = arith.muli %scan3A_99, %mul3A_100 : i32
        %get3A_102 = arith.constant 0 : i32
        %get3A_103 = arith.index_cast %get3A_102 : i32 to index
        %get3A_104 = arith.index_cast %mul3A_101 : i32 to index
        %get3A_105 = tpu.vector_load %arg8[%get3A_103, %get3A_104] {strides = array<i32>} : memref<1x16384xf32, #tpu.memory_space<vmem>>, vector<1x16xf32>,
        %get3A_106 = vector.shape_cast %get3A_105 : vector<1x16xf32> to vector<16xf32>
        %mul3A_107 = arith.constant 16 : i32
        %mul3A_108 = arith.muli %scan3A_99, %mul3A_107 : i32
        %get3A_109 = arith.index_cast %mul3A_108 : i32 to index
        %get3A_110 = tpu.vector_load %arg6[%get3A_109] {strides = array<i32>} : memref<16384xf32, #tpu.memory_space<vmem>>, vector<16xf32>,
        %get3A_111 = vector.shape_cast %get3A_110 : vector<16xf32> to vector<16xf32>
        %ge3A_112 = arith.constant 1.400000e-01 : f32
        %ge3A_113 = vector.broadcast %ge3A_112 : f32 to vector<16xf32>
        %ge3A_114 = arith.cmpf oge, %get3A_106, %ge3A_113 : vector<16xf32>
        %select_n3A_115 = arith.select %ge3A_114, %get3A_111, %broadcast_in_dim3A_22 : vector<16xi1>, vector<16xf32>
        %add3A_116 = arith.addf %add3A_97, %select_n3A_115 : vector<16xf32>
        %scan3A_117 = arith.constant 2 : i32
        %scan3A_118 = arith.addi %scan3A_82, %scan3A_117 : i32
        %mul3A_119 = arith.constant 16 : i32
        %mul3A_120 = arith.muli %scan3A_118, %mul3A_119 : i32
        %get3A_121 = arith.constant 0 : i32
        %get3A_122 = arith.index_cast %get3A_121 : i32 to index
        %get3A_123 = arith.index_cast %mul3A_120 : i32 to index
        %get3A_124 = tpu.vector_load %arg8[%get3A_122, %get3A_123] {strides = array<i32>} : memref<1x16384xf32, #tpu.memory_space<vmem>>, vector<1x16xf32>,
        %get3A_125 = vector.shape_cast %get3A_124 : vector<1x16xf32> to vector<16xf32>
        %mul3A_126 = arith.constant 16 : i32
        %mul3A_127 = arith.muli %scan3A_118, %mul3A_126 : i32
        %get3A_128 = arith.index_cast %mul3A_127 : i32 to index
        %get3A_129 = tpu.vector_load %arg6[%get3A_128] {strides = array<i32>} : memref<16384xf32, #tpu.memory_space<vmem>>, vector<16xf32>,
        %get3A_130 = vector.shape_cast %get3A_129 : vector<16xf32> to vector<16xf32>
        %ge3A_131 = arith.constant 1.400000e-01 : f32
        %ge3A_132 = vector.broadcast %ge3A_131 : f32 to vector<16xf32>
        %ge3A_133 = arith.cmpf oge, %get3A_125, %ge3A_132 : vector<16xf32>
        %select_n3A_134 = arith.select %ge3A_133, %get3A_130, %broadcast_in_dim3A_22 : vector<16xi1>, vector<16xf32>
        %add3A_135 = arith.addf %add3A_116, %select_n3A_134 : vector<16xf32>
        %scan3A_136 = arith.constant 3 : i32
        %scan3A_137 = arith.addi %scan3A_82, %scan3A_136 : i32
        %mul3A_138 = arith.constant 16 : i32
        %mul3A_139 = arith.muli %scan3A_137, %mul3A_138 : i32
        %get3A_140 = arith.constant 0 : i32
        %get3A_141 = arith.index_cast %get3A_140 : i32 to index
        %get3A_142 = arith.index_cast %mul3A_139 : i32 to index
        %get3A_143 = tpu.vector_load %arg8[%get3A_141, %get3A_142] {strides = array<i32>} : memref<1x16384xf32, #tpu.memory_space<vmem>>, vector<1x16xf32>,
        %get3A_144 = vector.shape_cast %get3A_143 : vector<1x16xf32> to vector<16xf32>
        %mul3A_145 = arith.constant 16 : i32
        %mul3A_146 = arith.muli %scan3A_137, %mul3A_145 : i32
        %get3A_147 = arith.index_cast %mul3A_146 : i32 to index
        %get3A_148 = tpu.vector_load %arg6[%get3A_147] {strides = array<i32>} : memref<16384xf32, #tpu.memory_space<vmem>>, vector<16xf32>,
        %get3A_149 = vector.shape_cast %get3A_148 : vector<16xf32> to vector<16xf32>
        %ge3A_150 = arith.constant 1.400000e-01 : f32
        %ge3A_151 = vector.broadcast %ge3A_150 : f32 to vector<16xf32>
        %ge3A_152 = arith.cmpf oge, %get3A_144, %ge3A_151 : vector<16xf32>
        %select_n3A_153 = arith.select %ge3A_152, %get3A_149, %broadcast_in_dim3A_22 : vector<16xi1>, vector<16xf32>
        %add3A_154 = arith.addf %add3A_135, %select_n3A_153 : vector<16xf32>
        %scan3A_155 = arith.constant 4 : i32
        %scan3A_156 = arith.addi %scan3A_82, %scan3A_155 : i32
        %mul3A_157 = arith.constant 16 : i32
        %mul3A_158 = arith.muli %scan3A_156, %mul3A_157 : i32
        %get3A_159 = arith.constant 0 : i32
        %get3A_160 = arith.index_cast %get3A_159 : i32 to index
        %get3A_161 = arith.index_cast %mul3A_158 : i32 to index
        %get3A_162 = tpu.vector_load %arg8[%get3A_160, %get3A_161] {strides = array<i32>} : memref<1x16384xf32, #tpu.memory_space<vmem>>, vector<1x16xf32>,
        %get3A_163 = vector.shape_cast %get3A_162 : vector<1x16xf32> to vector<16xf32>
        %mul3A_164 = arith.constant 16 : i32
        %mul3A_165 = arith.muli %scan3A_156, %mul3A_164 : i32
        %get3A_166 = arith.index_cast %mul3A_165 : i32 to index
        %get3A_167 = tpu.vector_load %arg6[%get3A_166] {strides = array<i32>} : memref<16384xf32, #tpu.memory_space<vmem>>, vector<16xf32>,
        %get3A_168 = vector.shape_cast %get3A_167 : vector<16xf32> to vector<16xf32>
        %ge3A_169 = arith.constant 1.400000e-01 : f32
        %ge3A_170 = vector.broadcast %ge3A_169 : f32 to vector<16xf32>
        %ge3A_171 = arith.cmpf oge, %get3A_163, %ge3A_170 : vector<16xf32>
        %select_n3A_172 = arith.select %ge3A_171, %get3A_168, %broadcast_in_dim3A_22 : vector<16xi1>, vector<16xf32>
        %add3A_173 = arith.addf %add3A_154, %select_n3A_172 : vector<16xf32>
        %scan3A_174 = arith.constant 5 : i32
        %scan3A_175 = arith.addi %scan3A_82, %scan3A_174 : i32
        %mul3A_176 = arith.constant 16 : i32
        %mul3A_177 = arith.muli %scan3A_175, %mul3A_176 : i32
        %get3A_178 = arith.constant 0 : i32
        %get3A_179 = arith.index_cast %get3A_178 : i32 to index
        %get3A_180 = arith.index_cast %mul3A_177 : i32 to index
        %get3A_181 = tpu.vector_load %arg8[%get3A_179, %get3A_180] {strides = array<i32>} : memref<1x16384xf32, #tpu.memory_space<vmem>>, vector<1x16xf32>,
        %get3A_182 = vector.shape_cast %get3A_181 : vector<1x16xf32> to vector<16xf32>
        %mul3A_183 = arith.constant 16 : i32
        %mul3A_184 = arith.muli %scan3A_175, %mul3A_183 : i32
        %get3A_185 = arith.index_cast %mul3A_184 : i32 to index
        %get3A_186 = tpu.vector_load %arg6[%get3A_185] {strides = array<i32>} : memref<16384xf32, #tpu.memory_space<vmem>>, vector<16xf32>,
        %get3A_187 = vector.shape_cast %get3A_186 : vector<16xf32> to vector<16xf32>
        %ge3A_188 = arith.constant 1.400000e-01 : f32
        %ge3A_189 = vector.broadcast %ge3A_188 : f32 to vector<16xf32>
        %ge3A_190 = arith.cmpf oge, %get3A_182, %ge3A_189 : vector<16xf32>
        %select_n3A_191 = arith.select %ge3A_190, %get3A_187, %broadcast_in_dim3A_22 : vector<16xi1>, vector<16xf32>
        %add3A_192 = arith.addf %add3A_173, %select_n3A_191 : vector<16xf32>
        %scan3A_193 = arith.constant 6 : i32
        %scan3A_194 = arith.addi %scan3A_82, %scan3A_193 : i32
        %mul3A_195 = arith.constant 16 : i32
        %mul3A_196 = arith.muli %scan3A_194, %mul3A_195 : i32
        %get3A_197 = arith.constant 0 : i32
        %get3A_198 = arith.index_cast %get3A_197 : i32 to index
        %get3A_199 = arith.index_cast %mul3A_196 : i32 to index
        %get3A_200 = tpu.vector_load %arg8[%get3A_198, %get3A_199] {strides = array<i32>} : memref<1x16384xf32, #tpu.memory_space<vmem>>, vector<1x16xf32>,
        %get3A_201 = vector.shape_cast %get3A_200 : vector<1x16xf32> to vector<16xf32>
        %mul3A_202 = arith.constant 16 : i32
        %mul3A_203 = arith.muli %scan3A_194, %mul3A_202 : i32
        %get3A_204 = arith.index_cast %mul3A_203 : i32 to index
        %get3A_205 = tpu.vector_load %arg6[%get3A_204] {strides = array<i32>} : memref<16384xf32, #tpu.memory_space<vmem>>, vector<16xf32>,
        %get3A_206 = vector.shape_cast %get3A_205 : vector<16xf32> to vector<16xf32>
        %ge3A_207 = arith.constant 1.400000e-01 : f32
        %ge3A_208 = vector.broadcast %ge3A_207 : f32 to vector<16xf32>
        %ge3A_209 = arith.cmpf oge, %get3A_201, %ge3A_208 : vector<16xf32>
        %select_n3A_210 = arith.select %ge3A_209, %get3A_206, %broadcast_in_dim3A_22 : vector<16xi1>, vector<16xf32>
        %add3A_211 = arith.addf %add3A_192, %select_n3A_210 : vector<16xf32>
        %scan3A_212 = arith.constant 7 : i32
        %scan3A_213 = arith.addi %scan3A_82, %scan3A_212 : i32
        %mul3A_214 = arith.constant 16 : i32
        %mul3A_215 = arith.muli %scan3A_213, %mul3A_214 : i32
        %get3A_216 = arith.constant 0 : i32
        %get3A_217 = arith.index_cast %get3A_216 : i32 to index
        %get3A_218 = arith.index_cast %mul3A_215 : i32 to index
        %get3A_219 = tpu.vector_load %arg8[%get3A_217, %get3A_218] {strides = array<i32>} : memref<1x16384xf32, #tpu.memory_space<vmem>>, vector<1x16xf32>,
        %get3A_220 = vector.shape_cast %get3A_219 : vector<1x16xf32> to vector<16xf32>
        %mul3A_221 = arith.constant 16 : i32
        %mul3A_222 = arith.muli %scan3A_213, %mul3A_221 : i32
        %get3A_223 = arith.index_cast %mul3A_222 : i32 to index
        %get3A_224 = tpu.vector_load %arg6[%get3A_223] {strides = array<i32>} : memref<16384xf32, #tpu.memory_space<vmem>>, vector<16xf32>,
        %get3A_225 = vector.shape_cast %get3A_224 : vector<16xf32> to vector<16xf32>
        %ge3A_226 = arith.constant 1.400000e-01 : f32
        %ge3A_227 = vector.broadcast %ge3A_226 : f32 to vector<16xf32>
        %ge3A_228 = arith.cmpf oge, %get3A_220, %ge3A_227 : vector<16xf32>
        %select_n3A_229 = arith.select %ge3A_228, %get3A_225, %broadcast_in_dim3A_22 : vector<16xi1>, vector<16xf32>
        %add3A_230 = arith.addf %add3A_211, %select_n3A_229 : vector<16xf32>
        scf.yield %add3A_230 : vector<16xf32>
      }
      %scan3A_67 = arith.constant 1024 : i32
      %mul3A_68 = arith.constant 16 : i32
      %mul3A_69 = arith.muli %add3A_56, %mul3A_68 : i32
      %swap3A_70 = arith.index_cast %mul3A_69 : i32 to index
      %swap3A_71 = tpu.vector_load %arg9[%swap3A_70] {strides = array<i32>} : memref<512xf32, #tpu.memory_space<vmem>>, vector<16xf32>,
      %swap3A_72 = vector.shape_cast %swap3A_71 : vector<16xf32> to vector<16xf32>
      %swap3A_73 = vector.shape_cast %scan3A_66 : vector<16xf32> to vector<16xf32>
      tpu.vector_store %arg9[%swap3A_70], %swap3A_73 {strides = array<i32>} : memref<512xf32, #tpu.memory_space<vmem>>, vector<16xf32>,
      %add3A_74 = arith.constant 2 : i32
      %add3A_75 = arith.addi %add3A_56, %add3A_74 : i32
      %lt3A_76 = arith.constant 32 : i32
      %lt3A_77 = arith.cmpi slt, %add3A_75, %lt3A_76 : i32
      %convert_element_type3A_78 = arith.extui %lt3A_77 : i1 to i32
      %cond3A_79 = arith.constant 0 : i32
      %cond3A_80 = arith.cmpi ne, %convert_element_type3A_78, %cond3A_79 : i32
      scf.if %cond3A_80 {
        %add3A_82 = arith.constant 2 : i32
        %add3A_83 = arith.addi %add3A_56, %add3A_82 : i32
        %add3A_84 = arith.addi %add3A_4, %add3A_83 : i32
        %dma_start3A_85 = arith.constant 0 : i32
        %dma_start3A_86 = tpu.memref_slice %arg3[%add3A_84, %dma_start3A_85] : memref<2048x16384xf32, #tpu.memory_space<hbm>> -> memref<1x16384xf32, #tpu.memory_space<hbm>>
        %dma_start3A_87 = arith.constant 0 : i32
        %dma_start3A_88 = tpu.memref_slice %arg3[%add3A_84, %dma_start3A_87] : memref<2048x16384xf32, #tpu.memory_space<hbm>> -> memref<1x16384xf32, #tpu.memory_space<hbm>>
        tpu.enqueue_dma source(%dma_start3A_88 : memref<1x16384xf32, #tpu.memory_space<hbm>>) target(%arg8 : memref<1x16384xf32, #tpu.memory_space<vmem>>) target_semaphore(%arg11 : memref<!tpu.dma_semaphore, #tpu.memory_space<semaphore_mem>>)
      } else {
      }
      %scan3A_81 = arith.constant 0 : i32
      scf.yield %scan3A_81 : i32
    }
    %scan3A_29 = arith.constant 16 : i32
    %mul3A_30 = arith.constant 16 : i32
    %mul3A_31 = arith.muli %mul3A_2, %mul3A_30 : i32
    "tpu.region"() ({
      %run_scoped3A = tpu.sem_alloc : memref<!tpu.dma_semaphore, #tpu.memory_space<semaphore_mem>>
      %dma_start3A_32 = tpu.memref_slice %arg4[%mul3A_31] : memref<16384xf32, #tpu.memory_space<hbm>> -> memref<512xf32, #tpu.memory_space<hbm>>
      %dma_start3A_33 = tpu.memref_slice %arg4[%mul3A_31] : memref<16384xf32, #tpu.memory_space<hbm>> -> memref<512xf32, #tpu.memory_space<hbm>>
      tpu.enqueue_dma source(%arg9 : memref<512xf32, #tpu.memory_space<vmem>>) target(%dma_start3A_33 : memref<512xf32, #tpu.memory_space<hbm>>) target_semaphore(%run_scoped3A : memref<!tpu.dma_semaphore, #tpu.memory_space<semaphore_mem>>)
      %dma_wait3A = tpu.memref_slice %arg4[%mul3A_31] : memref<16384xf32, #tpu.memory_space<hbm>> -> memref<512xf32, #tpu.memory_space<hbm>>
      %dma_wait3A_34 = tpu.memref_slice %arg4[%mul3A_31] : memref<16384xf32, #tpu.memory_space<hbm>> -> memref<512xf32, #tpu.memory_space<hbm>>
      tpu.wait_dma2 semaphore(%run_scoped3A : memref<!tpu.dma_semaphore, #tpu.memory_space<semaphore_mem>>) src(%arg9 : memref<512xf32, #tpu.memory_space<vmem>>) dst(%dma_wait3A_34 : memref<512xf32, #tpu.memory_space<hbm>>)
      tpu.yield
    }) : () -> ()
    return
  }
}

module attributes {stable_mosaic.version = 14 : i64} {
  func.func @_merge_kernel(%arg0: memref<1024x1xf32, #tpu.memory_space<vmem>>, %arg1: memref<1024x16xf32, #tpu.memory_space<vmem>>, %arg2: memref<2048x1xf32, #tpu.memory_space<vmem>>, %arg3: memref<2048x32xf32, #tpu.memory_space<vmem>>) attributes {dimension_semantics = [], scalar_prefetch = 0 : i64, scratch_operands = 0 : i64, tpu.core_type = #tpu.core_type<tc>} {
    %get3A = arith.constant 0 : index
    %get3A_0 = arith.constant 0 : index
    %get3A_1 = vector.load %arg0[%get3A, %get3A_0] : memref<1024x1xf32, #tpu.memory_space<vmem>>, vector<1024x1xf32>
    %get3A_2 = arith.constant 0 : index
    %get3A_3 = arith.constant 0 : index
    %get3A_4 = vector.load %arg1[%get3A_2, %get3A_3] : memref<1024x16xf32, #tpu.memory_space<vmem>>, vector<1024x16xf32>
    %reduce_sum3A = arith.constant dense<0.000000e+00> : vector<1024xf32>
    %reduce_sum3A_5 = vector.multi_reduction <add>, %get3A_4, %reduce_sum3A [1] : vector<1024x16xf32> to vector<1024xf32>
    %broadcast_in_dim3A = vector.shape_cast %reduce_sum3A_5 : vector<1024xf32> to vector<1024x1xf32>
    %concatenate3A = tpu.concatenate %get3A_1, %broadcast_in_dim3A in 0 : vector<1024x1xf32>, vector<1024x1xf32> -> vector<2048x1xf32>
    %get3A_6 = arith.constant 0 : index
    %get3A_7 = arith.constant 0 : index
    %get3A_8 = vector.load %arg2[%get3A_6, %get3A_7] : memref<2048x1xf32, #tpu.memory_space<vmem>>, vector<2048x1xf32>
    %mul3A = arith.mulf %concatenate3A, %get3A_8 : vector<2048x1xf32>
    %iota3A = tpu.iota {dimensions = array<i32: 0>} : vector<2048x1xi32>
    %convert_element_type3A = arith.fptosi %mul3A : vector<2048x1xf32> to vector<2048x1xi32>
    %mul3A_9 = arith.constant 2048 : i32
    %mul3A_10 = vector.broadcast %mul3A_9 : i32 to vector<2048x1xi32>
    %mul3A_11 = arith.muli %convert_element_type3A, %mul3A_10 : vector<2048x1xi32>
    %sub3A = arith.constant 2047 : i32
    %sub3A_12 = vector.broadcast %sub3A : i32 to vector<2048x1xi32>
    %sub3A_13 = arith.subi %sub3A_12, %iota3A : vector<2048x1xi32>
    %add3A = arith.addi %mul3A_11, %sub3A_13 : vector<2048x1xi32>
    %scan3A = arith.constant 0 : i32
    %scan3A_14 = arith.constant 67108864 : i32
    %scan3A_15 = arith.constant 0 : i32
    %scan3A_16 = arith.constant 26 : i32
    %scan3A_17 = arith.addi %scan3A_15, %scan3A_16 : i32
    %scan3A_18 = arith.constant 1 : i32
    %scan3A_19:2 = scf.for %scan3A_27 = %scan3A_15 to %scan3A_17 step %scan3A_18 iter_args(%scan3A_28 = %scan3A, %scan3A_29 = %scan3A_14) -> (i32, i32)  : i32 {
      %add3A_30 = arith.addi %scan3A_28, %scan3A_29 : i32
      %jit3A = arith.constant 2 : i32
      %div3A = arith.divsi %add3A_30, %jit3A : i32
      %sign3A = arith.constant 0 : i32
      %sign3A_31 = arith.cmpi sgt, %add3A_30, %sign3A : i32
      %sign3A_32 = arith.extui %sign3A_31 : i1 to i32
      %sign3A_33 = arith.constant 0 : i32
      %sign3A_34 = arith.cmpi slt, %add3A_30, %sign3A_33 : i32
      %sign3A_35 = arith.extui %sign3A_34 : i1 to i32
      %sign3A_36 = arith.subi %sign3A_32, %sign3A_35 : i32
      %sign3A_37 = arith.constant 0 : i32
      %sign3A_38 = arith.cmpi sgt, %jit3A, %sign3A_37 : i32
      %sign3A_39 = arith.extui %sign3A_38 : i1 to i32
      %sign3A_40 = arith.constant 0 : i32
      %sign3A_41 = arith.cmpi slt, %jit3A, %sign3A_40 : i32
      %sign3A_42 = arith.extui %sign3A_41 : i1 to i32
      %sign3A_43 = arith.subi %sign3A_39, %sign3A_42 : i32
      %ne3A = arith.cmpi ne, %sign3A_36, %sign3A_43 : i32
      %rem3A = arith.remsi %add3A_30, %jit3A : i32
      %ne3A_44 = arith.constant 0 : i32
      %ne3A_45 = arith.cmpi ne, %rem3A, %ne3A_44 : i32
      %and3A = arith.andi %ne3A, %ne3A_45 : i1
      %sub3A_46 = arith.constant 1 : i32
      %sub3A_47 = arith.subi %div3A, %sub3A_46 : i32
      %select_n3A = arith.select %and3A, %sub3A_47, %div3A : i32
      %ge3A_48 = vector.broadcast %select_n3A : i32 to vector<2048x1xi32>
      %ge3A_49 = arith.cmpi sge, %add3A, %ge3A_48 : vector<2048x1xi32>
      %convert_element_type3A_50 = arith.extui %ge3A_49 : vector<2048x1xi1> to vector<2048x1xi32>
      %reduce_sum3A_51 = vector.shape_cast %convert_element_type3A_50 : vector<2048x1xi32> to vector<1x2048x1xi32>
      %reduce_sum3A_52 = arith.constant dense<0> : vector<1xi32>
      %reduce_sum3A_53 = vector.multi_reduction <add>, %reduce_sum3A_51, %reduce_sum3A_52 [1, 2] : vector<1x2048x1xi32> to vector<1xi32>
      %reduce_sum3A_54 = vector.shape_cast %reduce_sum3A_53 : vector<1xi32> to vector<1x1x1xi32>
      %reduce_sum3A_55 = vector.extract %reduce_sum3A_54[0, 0, 0] : i32 from vector<1x1x1xi32>
      %ge3A_56 = arith.constant 90 : i32
      %ge3A_57 = arith.cmpi sge, %reduce_sum3A_55, %ge3A_56 : i32
      %select_n3A_58 = arith.select %ge3A_57, %select_n3A, %scan3A_28 : i32
      %select_n3A_59 = arith.select %ge3A_57, %scan3A_29, %select_n3A : i32
      scf.yield %select_n3A_58, %select_n3A_59 : i32, i32
    }
    %ge3A = vector.broadcast %scan3A_19#0 : i32 to vector<2048x1xi32>
    %ge3A_20 = arith.cmpi sge, %add3A, %ge3A : vector<2048x1xi32>
    %convert_element_type3A_21 = arith.extui %ge3A_20 : vector<2048x1xi1> to vector<2048x1xi32>
    %convert_element_type3A_22 = arith.sitofp %convert_element_type3A_21 : vector<2048x1xi32> to vector<2048x1xf32>
    %broadcast_in_dim3A_23 = vector.shape_cast %convert_element_type3A_22 : vector<2048x1xf32> to vector<2048x1xf32>
    %broadcast_in_dim3A_24 = vector.broadcast %broadcast_in_dim3A_23 : vector<2048x1xf32> to vector<2048x32xf32>
    %swap3A = arith.constant 0 : index
    %swap3A_25 = arith.constant 0 : index
    %swap3A_26 = vector.load %arg3[%swap3A, %swap3A_25] : memref<2048x32xf32, #tpu.memory_space<vmem>>, vector<2048x32xf32>
    tpu.vector_store %arg3[%swap3A, %swap3A_25], %broadcast_in_dim3A_24 {strides = array<i32>} : memref<2048x32xf32, #tpu.memory_space<vmem>>, vector<2048x32xf32>,
    return
  }
}

module attributes {stable_mosaic.version = 14 : i64} {
  func.func @_tc_overlap_kernel(%arg0: i32, %arg1: memref<1x16384xi32, #tpu.memory_space<vmem>>, %arg2: memref<128x16384xf32, #tpu.memory_space<vmem>>, %arg3: memref<128x1xf32, #tpu.memory_space<vmem>>) attributes {dimension_semantics = [#tpu.dimension_semantics<arbitrary>], iteration_bounds = array<i64: 8>, scalar_prefetch = 0 : i64, scratch_operands = 0 : i64, tpu.core_type = #tpu.core_type<tc>, window_params = [{pipeline_mode = #tpu.pipeline_mode<synchronous>, transform_indices = @transform_0, window_bounds = array<i64: 1, 16384>}, {transform_indices = @transform_1, window_bounds = array<i64: 128, 16384>}, {transform_indices = @transform_2, window_bounds = array<i64: 128, 1>}]} {
    %get3A = arith.constant 0 : index
    %get3A_0 = arith.constant 0 : index
    %get3A_1 = vector.load %arg1[%get3A, %get3A_0] : memref<1x16384xi32, #tpu.memory_space<vmem>>, vector<1x16384xi32>
    %ne3A = arith.constant 0 : i32
    %ne3A_2 = vector.broadcast %ne3A : i32 to vector<1x16384xi32>
    %ne3A_3 = arith.cmpi ne, %get3A_1, %ne3A_2 : vector<1x16384xi32>
    %convert_element_type3A = arith.extui %ne3A_3 : vector<1x16384xi1> to vector<1x16384xi32>
    %convert_element_type3A_4 = arith.sitofp %convert_element_type3A : vector<1x16384xi32> to vector<1x16384xf32>
    %get3A_5 = arith.constant 0 : index
    %get3A_6 = arith.constant 0 : index
    %get3A_7 = vector.load %arg2[%get3A_5, %get3A_6] : memref<128x16384xf32, #tpu.memory_space<vmem>>, vector<128x16384xf32>
    %ge3A = arith.constant 1.400000e-01 : f32
    %ge3A_8 = vector.broadcast %ge3A : f32 to vector<128x16384xf32>
    %ge3A_9 = arith.cmpf oge, %get3A_7, %ge3A_8 : vector<128x16384xf32>
    %convert_element_type3A_10 = arith.extui %ge3A_9 : vector<128x16384xi1> to vector<128x16384xi32>
    %convert_element_type3A_11 = arith.sitofp %convert_element_type3A_10 : vector<128x16384xi32> to vector<128x16384xf32>
    %dot_general3A = arith.constant dense<0.000000e+00> : vector<128x1xf32>
    %dot_general3A_12 = tpu.matmul %convert_element_type3A_11, %convert_element_type3A_4, %dot_general3A {dimension_numbers = #tpu.dot_dimension_numbers<[1], [1], [0], [0], [0, 0, 1, 0], [], []>, transpose_lhs_hint = false} : vector<128x16384xf32>, vector<1x16384xf32>, vector<128x1xf32> -> vector<128x1xf32>
    %swap3A = arith.constant 0 : index
    %swap3A_13 = arith.constant 0 : index
    %swap3A_14 = vector.load %arg3[%swap3A, %swap3A_13] : memref<128x1xf32, #tpu.memory_space<vmem>>, vector<128x1xf32>
    tpu.vector_store %arg3[%swap3A, %swap3A_13], %dot_general3A_12 {strides = array<i32>} : memref<128x1xf32, #tpu.memory_space<vmem>>, vector<128x1xf32>,
    return
  }
  func.func @transform_0(%arg0: i32) -> (i32, i32) {
    %c0_i32 = arith.constant 0 : i32
    %c0_i32_0 = arith.constant 0 : i32
    %c0_i32_1 = arith.constant 0 : i32
    return %c0_i32, %c0_i32_0 : i32, i32
  }
  func.func @transform_1(%arg0: i32) -> (i32, i32) {
    %c0_i32 = arith.constant 0 : i32
    %c0_i32_0 = arith.constant 0 : i32
    return %arg0, %c0_i32 : i32, i32
  }
  func.func @transform_2(%arg0: i32) -> (i32, i32) {
    %c0_i32 = arith.constant 0 : i32
    %c0_i32_0 = arith.constant 0 : i32
    return %arg0, %c0_i32 : i32, i32
  }
}

</mosaic_0001>

<sc_bundles>
// kernel: _htm.5.cloned.1.call-start
scs
__scs_entry_jumppad:
0x0: {  	(pc) =	sbr.rel $0x88, $3  }
0x1: {  	(tag) =	ssettag $0x0;
	lr =	simm.s32 $0x1  }
0x2: {  	[smem:$0x3F9E] =	sst lr;
	_ =	strace $0xD0000000  }
0x3: {  	_ = 	snop  }
0x4: {  	_ = 	snop  }
0x5: {  	_ = 	snop  }
0x6: {  	_ = 	snop  }
0x7: {  	_ = 	snop  }
__scs_overlays_trampoline_lowered:
0x8: {  	[smem:$0x3FAD] =	sst s0  }
0x9: {  	[smem:$0x3FAE] =	sst s1  }
0xa: {  	[smem:$0x3FAF] =	sst s2  }
0xb: {  	[smem:$0x3FB0] =	sst s3  }
0xc: {  	[smem:$0x3FB1] =	sst s4  }
0xd: {  	[smem:$0x3FB2] =	sst s5  }
0xe: {  	[smem:$0x3FB3] =	sst s6  }
0xf: {  	[smem:$0x3FB4] =	sst s7  }
0x10: {  	[smem:$0x3FB5] =	sst s8  }
0x11: {  	[smem:$0x3FB6] =	sst s9;
	s0 =	simm.s32 @!p0 $0x0  }
0x12: {  	s1 =	sld [smem:$0x3F9C];
	s0 =	simm.s32 @p0 $0x1  }
0x13: {  	[smem:$0x3FB7] =	sst s0;
	s0 =	simm.s32 @!p1 $0x0  }
0x14: {  	s2 =	sld [smem:$0x3F9B];
	s0 =	simm.s32 @p1 $0x1  }
0x15: {  	[smem:$0x3FB8] =	sst s0;
	s0 =	simm.s32 @!p2 $0x0  }
0x16: {  	s3 =	sld [smem:$0x3FDB];
	s0 =	simm.s32 @p2 $0x1  }
0x17: {  	s4 =	simm.s32 $0x1BF5;
	[smem:$0x3FBA] =	sst s0  }
0x18: {  	s0 =	sld [smem:$0x3F9D];
	_ =	swait.ge [sflag:s4], $0x0  }
0x19: {  	s7 =	sld [smem:$0x3F9E]  }
0x1a: {  	s8 =	sadd.s32 $0xFFFFE003, lr  }
0x1b: {  	s9 =	sadd.s32 $0xFFFFFEF7, lr;
	s5 =	simm.s32 $0xFFFFFFFF;
	p2 =	slt.u32 s8, $0xFFFFF086  }
0x1c: {  	p1 =	slt.u32 s9, $0xF7A;
	s5 =	simm.s32 @!p2 $0x0  }
0x1d: {  	s5 =	simm.s32 @p1 $0x1;
	p0 =	seq.s32 s7, s2  }
0x1e: {  	s7 =	smul.u32 @!p0 $0xF7A, s2;
	p2 =	seq.s32 @!p0 s5, $0x0  }
0x1f: {  	s9 =	smul.u32 $0xF7A, s1;
	s8 =	simm.s32 @!p0 $0x1BF5;
	p2 =	por !p2, p0  }
0x20: {  	[sflag:s8] =	ssyncset.s32 @!p0 $0xFFFFF086;
	s6 =	sadd.s32 @!p0 s3, s7;
	s7 =	simm.s32 @!p0 $0x108  }
0x21: {  	s3 =	sadd.s32 s3, s9;
	s6 =	sadd.s32 @!p0 $0x88, s6;
	s7 =	simm.s32 @p2 $0x1082  }
0x22: {  	[simem:s7], [sflag:s8] =	dma.local @!p0 [hbm:s6], $0xF7A  }
0x23: {  	s9 =	sor.u32 $0xD0000000, s2;
	s6 =	simm.s32 $0x108;
	_ =	swait.ge @!p0 [sflag:s8], $0x0  }
0x24: {  	s3 =	sadd.s32 $0x88, s3;
	s6 =	simm.s32 @!p1 $0x1082;
	[sflag:s4] =	ssyncset.s32 $0xFFFFF086  }
0x25: {  	[simem:s6], [sflag:s4] =	dma.local [hbm:s3], $0xF7A  }
0x26: {  	[smem:$0x3F9E] =	sst s1;
	(tag) =	ssettag s2;
	_ =	strace s9  }
0x27: {  	s1 =	sld [smem:$0x3FAE]  }
0x28: {  	s2 =	sld [smem:$0x3FAF]  }
0x29: {  	s4 =	sld [smem:$0x3FB1]  }
0x2a: {  	p0 =	seq.s32 s5, $0x0;
	s5 =	sld [smem:$0x3FB2]  }
0x2b: {  	s6 =	sld [smem:$0x3FB3]  }
0x2c: {  	s7 =	sld [smem:$0x3FB4]  }
0x2d: {  	s3 =	simm.s32 $0x108;
	s8 =	sld [smem:$0x3FB5]  }
0x2e: {  	s3 =	simm.s32 @!p0 $0x1082;
	s9 =	sld [smem:$0x3FB6]  }
0x2f: {  	lr =	sadd.s32 s0, s3;
	s0 =	sld [smem:$0x3FAD]  }
0x30: {  	s3 =	sld [smem:$0x3FB0]  }
0x31: {  	[smem:$0x3FB9] =	sst s10  }
0x32: {  	s10 =	sld [smem:$0x3FB7];
	_ =	sdelay $0x3  }
0x33: {  	p0 =	seq.s32 s10, $0x1;
	s10 =	sld [smem:$0x3FB9];
	_ =	sdelay $0x3  }
0x34: {  	[smem:$0x3FB9] =	sst s10  }
0x35: {  	s10 =	sld [smem:$0x3FB8];
	_ =	sdelay $0x3  }
0x36: {  	p1 =	seq.s32 s10, $0x1;
	s10 =	sld [smem:$0x3FB9];
	_ =	sdelay $0x3  }
0x37: {  	[smem:$0x3FB9] =	sst s10  }
0x38: {  	s10 =	sld [smem:$0x3FBA]  }
0x39: {  	_ = 	snop;
	(pc) =	sbr.ind lr, $3  }
0x3a: {  	_ = 	snop  }
0x3b: {  	_ = 	snop  }
0x3c: {  	p2 =	seq.s32 s10, $0x1;
	s10 =	sld [smem:$0x3FB9]  }
0x3d: {  	_ =	shalt  }
0x3e: {  	_ =	shalt  }
0x3f: {  	_ =	shalt  }
0x40: {  	_ =	shalt  }
0x41: {  	_ =	shalt  }
0x42: {  	_ =	shalt  }
0x43: {  	_ =	shalt  }
0x44: {  	_ =	shalt  }
0x45: {  	_ =	shalt  }
0x46: {  	_ =	shalt  }
0x47: {  	_ =	shalt  }
0x48: {  	_ =	shalt  }
0x49: {  	_ =	shalt  }
0x4a: {  	_ =	shalt  }
0x4b: {  	_ =	shalt  }
0x4c: {  	_ =	shalt  }
0x4d: {  	_ =	shalt  }
0x4e: {  	_ =	shalt  }
0x4f: {  	_ =	shalt  }
0x50: {  	_ =	shalt  }
0x51: {  	_ =	shalt  }
0x52: {  	_ =	shalt  }
0x53: {  	_ =	shalt  }
0x54: {  	_ =	shalt  }
0x55: {  	_ =	shalt  }
0x56: {  	_ =	shalt  }
0x57: {  	_ =	shalt  }
0x58: {  	_ =	shalt  }
0x59: {  	_ =	shalt  }
0x5a: {  	_ =	shalt  }
0x5b: {  	_ =	shalt  }
0x5c: {  	_ =	shalt  }
0x5d: {  	_ =	shalt  }
0x5e: {  	_ =	shalt  }
0x5f: {  	_ =	shalt  }
0x60: {  	_ =	shalt  }
0x61: {  	_ =	shalt  }
0x62: {  	_ =	shalt  }
0x63: {  	_ =	shalt  }
0x64: {  	_ =	shalt  }
0x65: {  	_ =	shalt  }
0x66: {  	_ =	shalt  }
0x67: {  	_ =	shalt  }
0x68: {  	_ =	shalt  }
0x69: {  	_ =	shalt  }
0x6a: {  	_ =	shalt  }
0x6b: {  	_ =	shalt  }
0x6c: {  	_ =	shalt  }
0x6d: {  	_ =	shalt  }
0x6e: {  	_ =	shalt  }
0x6f: {  	_ =	shalt  }
0x70: {  	_ =	shalt  }
0x71: {  	_ =	shalt  }
0x72: {  	_ =	shalt  }
0x73: {  	_ =	shalt  }
0x74: {  	_ =	shalt  }
0x75: {  	_ =	shalt  }
0x76: {  	_ =	shalt  }
0x77: {  	_ =	shalt  }
0x78: {  	_ =	shalt  }
0x79: {  	_ =	shalt  }
0x7a: {  	_ =	shalt  }
0x7b: {  	_ =	shalt  }
0x7c: {  	_ =	shalt  }
0x7d: {  	_ =	shalt  }
0x7e: {  	_ =	shalt  }
0x7f: {  	_ =	shalt  }
0x80: {  	_ =	shalt  }
0x81: {  	_ =	shalt  }
0x82: {  	_ =	shalt  }
0x83: {  	_ =	shalt  }
0x84: {  	_ =	shalt  }
0x85: {  	_ =	shalt  }
0x86: {  	_ =	shalt  }
0x87: {  	_ =	shalt  }
.Lfunc_end0:
.L_simem_size_0:
called_computation_lowered:
.L_overlay_start_0:
0x88: {  	s2 =	sld [smem:$0x3FD9]  }
0x89: {  	s3 =	sld [smem:$0x3FFE];
	_ =	sdelay $0x1  }
0x8a: {  	s1 =	srdreg.scid  }
0x8b: {  	s0 =	sand.u32 $0x1, s1  }
0x8c: {  	s18 =	sshll.u32 s0, $0xA;
	s2 =	sadd.s32 s3, s2  }
0x8d: {  	s2 =	sadd.s32 s2, s18  }
0x8e: {  	[smem:$0x3FC5] =	sst s2  }
0x8f: {  	_ = 	snop  }
0x90: {  	s2 =	sld [smem:$0x3FC9]  }
0x91: {  	s19 =	sld [smem:$0x3FC8]  }
0x92: {  	s4 =	sld [smem:$0x3FD0];
	(tm) =	ssettm $0x1  }
0x93: {  	s5 =	sld [smem:$0x3FFB];
	_ =	sdelay $0x3  }
0x94: {  	_ =	strace s5  }
0x95: {  	s5 =	sld [smem:$0x3FFC];
	_ =	sdelay $0x3  }
0x96: {  	_ =	strace s5  }
0x97: {  	s5 =	sld [smem:$0x3FFD];
	_ =	sdelay $0x3  }
0x98: {  	_ =	strace s5  }
0x99: {  	_ =	strace $0x8FFFFFFF  }
0x9a: {  	s20 =	sld [smem:$0x3FDB];
	_ =	sdelay $0x1  }
0x9b: {  	s6 =	simm.s32 $_scs_section_size  }
0x9c: {  	s7 =	simm.s32 $_size__tile_overlayer_lowered;
	s8 =	simm.s32 $_tile_overlayer_lowered  }
0x9d: {  	s23 =	simm.s32 $0x1BFF;
	s22 =	sshll.u32 s8, $0x1;
	s5 =	sadd.s32 s6, s20  }
0x9e: {  	s9 =	simm.s32 $0x0;
	s21 =	sshll.u32 s7, $0x1;
	s7 =	sadd.s32 s22, s5  }
0x9f: {  	[timem:s9], [sflag:s23] =	dma.local [hbm:s7], s21  }
0xa0: {  	_ =	swait.ge [sflag:s23], s21  }
0xa1: {  	s6 =	ssub.s32 $0x0, s21;
	[sflag:s23] =	ssyncset.done $0x0  }
0xa2: {  	[sflag:s23] =	ssyncadd.s32 s6;
	_ =	sdelay $0x1  }
0xa3: {  	s24 =	simm.s32 $0x1B8B  }
0xa4: {  	_ =	swait.ge [sflag:s24], $0x1  }
0xa5: {  	[sflag:s24] =	ssyncset.done $0x0  }
0xa6: {  	s25 =	simm.s32 $0x1B8E;
	[sflag:s24] =	ssyncadd.s32 $0xFFFFFFFF  }
0xa7: {  	s26 =	simm.s32 $execute0_lowered;
	[smem:$0x3FD2] =	sst s25  }
0xa8: {  	s6 =	sshll.u32 s26, $0x1;
	_ =	strace $0x80000046;
	[dreg:$0x1] =	wrdreg $0xFFFFFFFF  }
0xa9: {  	s28 =	simm.s32 $_size_execute0_lowered;
	s5 =	sadd.s32 s5, s6;
	[dreg:$0x0] =	wrdreg $0x0  }
0xaa: {  	s6 =	sshll.u32 s28, $0x1;
	[dreg:$0x2] =	wrdreg s5  }
0xab: {  	[dreg:$0x3] =	wrdreg s6  }
0xac: {  	[dreg:$0x4] =	wrdreg $0xC0  }
0xad: {  	_ =	task [dreg:s9], $0x5FFFF  }
0xae: {  	[dreg:$0x1] =	wrdreg $0xFFFFFFFF  }
0xaf: {  	[dreg:$0x0] =	wrdreg $0x60  }
0xb0: {  	[dreg:$0x2] =	wrdreg s2  }
0xb1: {  	[dreg:$0x3] =	wrdreg s19  }
0xb2: {  	[dreg:$0x4] =	wrdreg s4  }
0xb3: {  	[dreg:$0x5] =	wrdreg $0x9  }
0xb4: {  	_ =	task.clear_ibuf [dreg:s9], $0x6FFFF;
	_ =	strace $0x90000046  }
0xb5: {  	s29 =	simm.s32 $0x9;
	_ =	strace $0x80000048  }
0xb6: {  	_ =	swait.ge [sflag:s29], $0x1  }
0xb7: {  	[sflag:s29] =	ssyncadd.s32 $0xFFFFFFFF  }
0xb8: {  	_ =	strace $0x90000048  }
0xb9: {  	_ =	sfence  }
0xba: {  	s30 =	sld [smem:$0x0];
	_ =	sdelay $0x2  }
0xbb: {  	s31 =	sshll.u32 s1, $0xD;
	s1 =	sshrl.u32 s1, $0x2  }
0xbc: {  	s3 =	sand.u32 $0x4000, s31;
	s1 =	sadd.s32 s1, s30  }
0xbd: {  	s0 =	sor.u32 s3, s0;
	s1 =	sshll.u32 s1, $0x11  }
0xbe: {  	s0 =	sor.u32 s1, s0  }
0xbf: {  	s0 =	sadd.s32 $0x8F2B, s0  }
0xc0: {  	[sflag:s0] =	ssyncadd.remote.s32 $0x1  }
0xc1: {  	_ =	sfence.sel $0xFFFF  }
0xc2: {  	[dreg:$0x0] =	wrdreg $0xFFFFFFFF;
	(pc) =	sbr.abs _section_cstart, $3  }
0xc3: {  	[dreg:$0x1] =	wrdreg $0xFFFFFFFF  }
0xc4: {  	_ =	task.clear_ibuf [dreg:s9], $0x2FFFF;
	_ =	strace $0x9FFFFFFF  }
0xc5: {  	(tm) =	ssettm $0x7FFFFFFF  }
tec
execute0_lowered:
.L_overlay_start_1:
0x0: {  	(tag) =	ssettag $0x1  }
0x1: {  	s1 =	rddreg [dreg:$0x0]  }
0x2: {  	s3 =	rddreg [dreg:$0x1];
	s2 =	srdreg.scid  }
0x3: {  	s0 =	stileid.u32;
	s8 =	rddreg [dreg:$0x2]  }
0x4: {  	s4 =	simm.s32 $0x0;
	s12 =	simm.s32 $0x400;
	s13 =	simm.s32 $0x8000  }
0x5: {  	s14 =	simm.s32 $0xC000;
	s15 =	simm.s32 $0x1;
	s16 =	simm.s32 $0x2  }
0x6: {  	s17 =	simm.s32 $0x10000;
	s5 =	sand.u32 $0x1, s2;
	s2 =	rddreg [dreg:$0x3]  }
0x7: {  	s18 =	simm.s32 $0x0;
	s6 =	sshll.u32 s0, $0x1;
	[smem:$0x7FF] =	sst s4  }
0x8: {  	s7 =	sor.u32 s5, s6;
	s29 =	ssub.s32 $0x2, s5;
	_ =	strace $0x80000047  }
.Ltmp0:
0x9: {  	s30 =	sshll.u32 s7, $0x5;
	s9 =	sshrl.u32 s29, $0x1;
	(pc) =	sbr.rel .LBB2_1-.Ltmp0, $4  }
0xa: {  	s10 =	sshll.u32 s7, $0x10;
	s11 =	sshll.u32 s7, $0x6;
	s5 =	sor.u32 $0x400, s30  }
0xb: {  	s9 =	ssub.s32 s29, s9;
	s10 =	sadd.s32 s10, s3;
	s8 =	sadd.s32 s8, s11  }
0xc: {  	s11 =	simm.s32 $0x80;
	s31 =	sshll.u32 s5, $0xB;
	s7 =	sadd.s32 $0x200010, s10  }
0xd: {  	v0 =	vimm.f32 $1.000000000e+00;
	s9 =	smax.u32 s9, $0x1;
	s10 =	simm.s32 $0x3;
	s6 =	sadd.s32 s3, s31  }
.LBB2_10:
0xe: {  	s18 =	sadd.s32 $0x1, s18  }
0xf: {  	p0 =	sne.s32 s18, s9  }
.Ltmp1:
0x10: {  	_ = 	snop;
	(pc) =	sbr.rel @!p0 .LBB2_11-.Ltmp1, $4  }
0x11: {  	[hbm4b:s8+s4] =	stream.linear.scatter [tilespmem:s17], [sflag:$0x3], $0x200, $0x38;
	[tilespmem:$0x10200] =	vst v63  }
0x12: {  	_ =	swait.ge [sflag:s10], $0x200  }
0x13: {  	[sflag:s10] =	ssyncset.done $0x0  }
0x14: {  	[sflag:s10] =	ssyncadd.s32 $0xFFFFFE00  }
.LBB2_1:
0x15: {  	[tilespmem:s4], [sflag:$0x3] =	stream.linear.gather [hbm4b:s1+s4], $0x4000, $0x38;
	[tilespmem:$0x10200] =	vst v63  }
0x16: {  	_ =	swait.ge [sflag:s10], $0x4000  }
0x17: {  	[sflag:s10] =	ssyncset.done $0x0  }
0x18: {  	s20 =	simm.s32 $0x20;
	[sflag:s10] =	ssyncadd.s32 $0xFFFFC000  }
0x19: {  	v1 =	vld [tilespmem:s20+$0xFFFFFFE0];
	_ =	sdelay $0x4  }
0x1a: {  	vm0 =	veq.s32 v1, $0x0  }
0x1b: {  	s19 =	simm.s32 $0x4020;
	v1 =	vsel vm0, $0x0, v0  }
0x1c: {  	[tilespmem:s19+$0xFFFFFFE0] =	vst v1  }
0x1d: {  	v1 =	vld [tilespmem:s20+$0xFFFFFFF0];
	_ =	sdelay $0x4  }
0x1e: {  	vm13 =	veq.s32 v1, $0x0  }
0x1f: {  	v1 =	vsel vm13, $0x0, v0  }
0x20: {  	[tilespmem:s19+$0xFFFFFFF0] =	vst v1  }
0x21: {  	v1 =	vld [tilespmem:s20+$0x0];
	_ =	sdelay $0x4  }
0x22: {  	vm14 =	veq.s32 v1, $0x0  }
0x23: {  	v1 =	vsel vm14, $0x0, v0  }
0x24: {  	[tilespmem:s19+$0x0] =	vst v1  }
0x25: {  	v1 =	vld [tilespmem:s20+$0x10];
	_ =	sdelay $0x4  }
0x26: {  	vm15 =	veq.s32 v1, $0x0  }
0x27: {  	v1 =	vsel vm15, $0x0, v0  }
0x28: {  	s21 =	simm.s32 $0x60;
	s20 =	simm.s32 $0x0;
	[tilespmem:s19+$0x10] =	vst v1  }
.LBB2_2:
0x29: {  	v1 =	vld [tilespmem:s21+$0xFFFFFFE0];
	s20 =	sadd.s32 $0x4, s20  }
0x2a: {  	p0 =	slt.u32 s20, $0x3FC;
	_ =	sdelay $0x3  }
0x2b: {  	vm0 =	veq.s32 v1, $0x0  }
0x2c: {  	s19 =	sadd.s32 $0x40, s19;
	v1 =	vsel vm0, $0x0, v0  }
0x2d: {  	[tilespmem:s19+$0xFFFFFFE0] =	vst v1  }
0x2e: {  	v1 =	vld [tilespmem:s21+$0xFFFFFFF0];
	_ =	sdelay $0x4  }
0x2f: {  	vm0 =	veq.s32 v1, $0x0  }
0x30: {  	v1 =	vsel vm0, $0x0, v0  }
0x31: {  	[tilespmem:s19+$0xFFFFFFF0] =	vst v1  }
0x32: {  	v1 =	vld [tilespmem:s21+$0x0];
	_ =	sdelay $0x4  }
0x33: {  	vm0 =	veq.s32 v1, $0x0  }
0x34: {  	v1 =	vsel vm0, $0x0, v0  }
0x35: {  	[tilespmem:s19+$0x0] =	vst v1  }
0x36: {  	v1 =	vld [tilespmem:s21+$0x10];
	_ =	sdelay $0x2  }
.Ltmp2:
0x37: {  	(pc) =	sbr.rel @p0 .LBB2_2-.Ltmp2, $4  }
0x38: {  	_ = 	snop  }
0x39: {  	vm0 =	veq.s32 v1, $0x0  }
0x3a: {  	v1 =	vsel vm0, $0x0, v0  }
0x3b: {  	s21 =	sadd.s32 $0x40, s21;
	[tilespmem:s19+$0x10] =	vst v1  }
0x3c: {  	[tilespmem:s13], [sflag:$0x1] =	stream.strided.gather [hbm4b:s6+s11], $0x4000, s12, s11, $0x38;
	[tilespmem:$0x10200] =	vst v63  }
0x3d: {  	s19 =	simm.s32 $0x0  }
0x3e: {  	[tilespmem:s14], [sflag:$0x2] =	stream.strided.gather [hbm4b:s7+s11], $0x4000, s12, s11, $0x38;
	[tilespmem:$0x10200] =	vst v63  }
.LBB2_4:
0x3f: {  	_ =	swait.ge [sflag:s15], $0x4000  }
0x40: {  	[sflag:s15] =	ssyncset.done $0x0  }
0x41: {  	s21 =	simm.s32 $0x8040;
	[sflag:s15] =	ssyncadd.s32 $0xFFFFC000  }
0x42: {  	s20 =	simm.s32 $0x4040;
	v1 =	vld [tilespmem:s21+$0xFFFFFFC0]  }
0x43: {  	v2 =	vld [tilespmem:s20+$0xFFFFFFC0]  }
0x44: {  	v3 =	vld [tilespmem:s21+$0xFFFFFFD0]  }
0x45: {  	v4 =	vld [tilespmem:s20+$0xFFFFFFD0]  }
0x46: {  	v5 =	vld [tilespmem:s21+$0xFFFFFFE0]  }
0x47: {  	vm0 =	vge.f32 v1, $1.400000010e-01;
	v1 =	vld [tilespmem:s20+$0xFFFFFFE0]  }
0x48: {  	v6 =	vimm.f32 $0.0e+00;
	v7 =	vld [tilespmem:s21+$0xFFFFFFF0];
	v2 =	vnsel vm0, $0x0, v2  }
0x49: {  	vm0 =	vge.f32 v3, $1.400000010e-01;
	v3 =	vld [tilespmem:s20+$0xFFFFFFF0];
	v2 =	vadd.f32 v2, v6  }
0x4a: {  	v4 =	vnsel vm0, $0x0, v4;
	v6 =	vld [tilespmem:s21+$0x0]  }
0x4b: {  	vm0 =	vge.f32 v5, $1.400000010e-01;
	v2 =	vadd.f32 v4, v2;
	v4 =	vld [tilespmem:s20+$0x0]  }
0x4c: {  	v8 =	vld [tilespmem:s21+$0x10];
	v1 =	vnsel vm0, $0x0, v1  }
0x4d: {  	v5 =	vld [tilespmem:s20+$0x10];
	vm0 =	vge.f32 v7, $1.400000010e-01;
	v1 =	vadd.f32 v1, v2  }
0x4e: {  	v3 =	vnsel vm0, $0x0, v3;
	v2 =	vld [tilespmem:s21+$0x20]  }
0x4f: {  	vm0 =	vge.f32 v6, $1.400000010e-01;
	v7 =	vadd.f32 v3, v1;
	v3 =	vld [tilespmem:s20+$0x20]  }
0x50: {  	v1 =	vld [tilespmem:s21+$0x30];
	v4 =	vnsel vm0, $0x0, v4  }
0x51: {  	s22 =	simm.s32 $0x80C0;
	s21 =	simm.s32 $0x0;
	vm0 =	vge.f32 v8, $1.400000010e-01;
	v6 =	vadd.f32 v4, v7;
	v4 =	vld [tilespmem:s20+$0x30]  }
.LBB2_5:
0x52: {  	v7 =	vld [tilespmem:s22+$0xFFFFFFC0];
	s21 =	sadd.s32 $0x8, s21;
	v5 =	vnsel vm0, $0x0, v5;
	s20 =	sadd.s32 $0x80, s20  }
0x53: {  	v8 =	vld [tilespmem:s20+$0xFFFFFFC0];
	p0 =	slt.u32 s21, $0x3F8;
	v5 =	vadd.f32 v5, v6;
	vm0 =	vge.f32 v2, $1.400000010e-01  }
0x54: {  	v2 =	vld [tilespmem:s22+$0xFFFFFFD0];
	v3 =	vnsel vm0, $0x0, v3  }
0x55: {  	v6 =	vld [tilespmem:s20+$0xFFFFFFD0];
	v3 =	vadd.f32 v3, v5;
	vm0 =	vge.f32 v1, $1.400000010e-01  }
0x56: {  	v1 =	vld [tilespmem:s22+$0xFFFFFFE0];
	v4 =	vnsel vm0, $0x0, v4  }
0x57: {  	vm0 =	vge.f32 v7, $1.400000010e-01;
	v5 =	vld [tilespmem:s20+$0xFFFFFFE0];
	v3 =	vadd.f32 v4, v3  }
0x58: {  	v4 =	vnsel vm0, $0x0, v8;
	v7 =	vld [tilespmem:s22+$0xFFFFFFF0]  }
0x59: {  	v3 =	vadd.f32 v4, v3;
	vm0 =	vge.f32 v2, $1.400000010e-01;
	v2 =	vld [tilespmem:s20+$0xFFFFFFF0]  }
0x5a: {  	v4 =	vnsel vm0, $0x0, v6;
	v6 =	vld [tilespmem:s22+$0x0]  }
0x5b: {  	v3 =	vadd.f32 v4, v3;
	vm0 =	vge.f32 v1, $1.400000010e-01;
	v1 =	vld [tilespmem:s20+$0x0]  }
0x5c: {  	v4 =	vnsel vm0, $0x0, v5;
	v8 =	vld [tilespmem:s22+$0x10]  }
.Ltmp3:
0x5d: {  	v3 =	vadd.f32 v4, v3;
	vm0 =	vge.f32 v7, $1.400000010e-01;
	v5 =	vld [tilespmem:s20+$0x10];
	(pc) =	sbr.rel @p0 .LBB2_5-.Ltmp3, $4  }
0x5e: {  	v4 =	vnsel vm0, $0x0, v2;
	v2 =	vld [tilespmem:s22+$0x20]  }
0x5f: {  	v4 =	vadd.f32 v4, v3;
	vm0 =	vge.f32 v6, $1.400000010e-01;
	v3 =	vld [tilespmem:s20+$0x20]  }
0x60: {  	v6 =	vnsel vm0, $0x0, v1;
	v1 =	vld [tilespmem:s22+$0x30]  }
0x61: {  	s22 =	sadd.s32 $0x80, s22;
	v6 =	vadd.f32 v6, v4;
	vm0 =	vge.f32 v8, $1.400000010e-01;
	v4 =	vld [tilespmem:s20+$0x30]  }
0x62: {  	v5 =	vnsel vm0, $0x0, v5  }
0x63: {  	v5 =	vadd.f32 v5, v6;
	vm0 =	vge.f32 v2, $1.400000010e-01  }
0x64: {  	s20 =	sshll.u32 s19, $0x1;
	p0 =	seq.s32 s19, $0xF;
	v2 =	vnsel vm0, $0x0, v3  }
0x65: {  	s21 =	sadd.s32 @!p0 $0x2, s20;
	v2 =	vadd.f32 v2, v5;
	vm0 =	vge.f32 v1, $1.400000010e-01  }
0x66: {  	s23 =	sshll.u32 s19, $0x5;
	s22 =	sadd.s32 @!p0 s5, s21;
	s21 =	sshll.u32 @!p0 s21, $0x4;
	v1 =	vnsel vm0, $0x0, v4  }
0x67: {  	s25 =	simm.s32 @!p0 $0x8000;
	s22 =	sshll.u32 @!p0 s22, $0xB;
	s21 =	sand.u32 @!p0 $0x60, s21;
	v1 =	vadd.f32 v1, v2  }
0x68: {  	s22 =	sand.u32 @!p0 $0xFFFC000, s22;
	s24 =	sadd.s32 @!p0 s3, s21;
	s21 =	sand.u32 $0x3FFFFFE0, s23  }
0x69: {  	s23 =	simm.s32 @!p0 $0x80;
	s22 =	sadd.s32 @!p0 s22, s24;
	s24 =	simm.s32 @!p0 $0x400;
	[tilespmem:s21+$0x10000] =	vst v1  }
0x6a: {  	[tilespmem:s25], [sflag:$0x1] =	stream.strided.gather @!p0 [hbm4b:s22+s23], $0x4000, s24, s23, $0x38;
	[tilespmem:$0x10200] =	vst v63  }
0x6b: {  	_ =	swait.ge [sflag:s16], $0x4000  }
0x6c: {  	[sflag:s16] =	ssyncset.done $0x0  }
0x6d: {  	s31 =	simm.s32 $0xC040;
	[sflag:s16] =	ssyncadd.s32 $0xFFFFC000  }
0x6e: {  	s22 =	simm.s32 $0x4040;
	v1 =	vld [tilespmem:s31+$0xFFFFFFC0]  }
0x6f: {  	v2 =	vld [tilespmem:s22+$0xFFFFFFC0]  }
0x70: {  	v3 =	vld [tilespmem:s31+$0xFFFFFFD0]  }
0x71: {  	v4 =	vld [tilespmem:s22+$0xFFFFFFD0]  }
0x72: {  	v5 =	vld [tilespmem:s31+$0xFFFFFFE0]  }
0x73: {  	vm0 =	vge.f32 v1, $1.400000010e-01;
	v1 =	vld [tilespmem:s22+$0xFFFFFFE0]  }
0x74: {  	v6 =	vimm.f32 $0.0e+00;
	v7 =	vld [tilespmem:s31+$0xFFFFFFF0];
	v2 =	vnsel vm0, $0x0, v2  }
0x75: {  	vm0 =	vge.f32 v3, $1.400000010e-01;
	v2 =	vadd.f32 v2, v6;
	v6 =	vld [tilespmem:s22+$0xFFFFFFF0]  }
0x76: {  	v3 =	vnsel vm0, $0x0, v4;
	v4 =	vld [tilespmem:s31+$0x0]  }
0x77: {  	vm0 =	vge.f32 v5, $1.400000010e-01;
	v5 =	vld [tilespmem:s22+$0x0];
	v2 =	vadd.f32 v3, v2  }
0x78: {  	v8 =	vld [tilespmem:s31+$0x10];
	v1 =	vnsel vm0, $0x0, v1  }
0x79: {  	v3 =	vld [tilespmem:s22+$0x10];
	vm0 =	vge.f32 v7, $1.400000010e-01;
	v2 =	vadd.f32 v1, v2  }
0x7a: {  	v1 =	vld [tilespmem:s31+$0x20];
	v6 =	vnsel vm0, $0x0, v6  }
0x7b: {  	vm0 =	vge.f32 v4, $1.400000010e-01;
	v4 =	vld [tilespmem:s22+$0x20];
	v6 =	vadd.f32 v6, v2  }
0x7c: {  	v5 =	vnsel vm0, $0x0, v5;
	v2 =	vld [tilespmem:s31+$0x30]  }
0x7d: {  	s23 =	simm.s32 $0x0;
	s24 =	simm.s32 $0xC0C0;
	vm0 =	vge.f32 v8, $1.400000010e-01;
	v6 =	vadd.f32 v5, v6;
	v5 =	vld [tilespmem:s22+$0x30]  }
.LBB2_7:
0x7e: {  	v7 =	vld [tilespmem:s24+$0xFFFFFFC0];
	s23 =	sadd.s32 $0x8, s23;
	v3 =	vnsel vm0, $0x0, v3;
	s22 =	sadd.s32 $0x80, s22  }
0x7f: {  	v8 =	vld [tilespmem:s22+$0xFFFFFFC0];
	p1 =	slt.u32 s23, $0x3F8;
	v3 =	vadd.f32 v3, v6;
	vm0 =	vge.f32 v1, $1.400000010e-01  }
0x80: {  	v1 =	vld [tilespmem:s24+$0xFFFFFFD0];
	v4 =	vnsel vm0, $0x0, v4  }
0x81: {  	v6 =	vld [tilespmem:s22+$0xFFFFFFD0];
	v3 =	vadd.f32 v4, v3;
	vm0 =	vge.f32 v2, $1.400000010e-01  }
0x82: {  	v2 =	vld [tilespmem:s24+$0xFFFFFFE0];
	v4 =	vnsel vm0, $0x0, v5  }
0x83: {  	vm0 =	vge.f32 v7, $1.400000010e-01;
	v5 =	vld [tilespmem:s22+$0xFFFFFFE0];
	v3 =	vadd.f32 v4, v3  }
0x84: {  	v4 =	vnsel vm0, $0x0, v8;
	v7 =	vld [tilespmem:s24+$0xFFFFFFF0]  }
0x85: {  	v3 =	vadd.f32 v4, v3;
	vm0 =	vge.f32 v1, $1.400000010e-01;
	v1 =	vld [tilespmem:s22+$0xFFFFFFF0]  }
0x86: {  	v4 =	vnsel vm0, $0x0, v6;
	v6 =	vld [tilespmem:s24+$0x0]  }
0x87: {  	v3 =	vadd.f32 v4, v3;
	vm0 =	vge.f32 v2, $1.400000010e-01;
	v2 =	vld [tilespmem:s22+$0x0]  }
0x88: {  	v4 =	vnsel vm0, $0x0, v5;
	v5 =	vld [tilespmem:s24+$0x10]  }
.Ltmp4:
0x89: {  	v4 =	vadd.f32 v4, v3;
	vm0 =	vge.f32 v7, $1.400000010e-01;
	v3 =	vld [tilespmem:s22+$0x10];
	(pc) =	sbr.rel @p1 .LBB2_7-.Ltmp4, $4  }
0x8a: {  	v7 =	vnsel vm0, $0x0, v1;
	v1 =	vld [tilespmem:s24+$0x20]  }
0x8b: {  	v7 =	vadd.f32 v7, v4;
	vm0 =	vge.f32 v6, $1.400000010e-01;
	v4 =	vld [tilespmem:s22+$0x20]  }
0x8c: {  	v6 =	vnsel vm0, $0x0, v2;
	v2 =	vld [tilespmem:s24+$0x30]  }
0x8d: {  	s24 =	sadd.s32 $0x80, s24;
	v6 =	vadd.f32 v6, v7;
	vm0 =	vge.f32 v5, $1.400000010e-01;
	v5 =	vld [tilespmem:s22+$0x30]  }
0x8e: {  	v3 =	vnsel vm0, $0x0, v3  }
0x8f: {  	v3 =	vadd.f32 v3, v6;
	vm14 =	vge.f32 v1, $1.400000010e-01  }
0x90: {  	v1 =	vnsel vm14, $0x0, v4  }
.Ltmp5:
0x91: {  	v1 =	vadd.f32 v1, v3;
	vm15 =	vge.f32 v2, $1.400000010e-01;
	(pc) =	sbr.rel @p0 .LBB2_10-.Ltmp5, $3  }
0x92: {  	v2 =	vnsel vm15, $0x0, v5  }
0x93: {  	v1 =	vadd.f32 v2, v1;
	_ =	sdelay $0x1  }
0x94: {  	[tilespmem:s21+$0x10010] =	vst v1  }
0x95: {  	s20 =	sadd.s32 $0x3, s20  }
.Ltmp6:
0x96: {  	s21 =	sadd.s32 s5, s20;
	s20 =	sshll.u32 s20, $0x4;
	(pc) =	sbr.rel .LBB2_4-.Ltmp6, $4  }
0x97: {  	s21 =	sshll.u32 s21, $0xB;
	s20 =	sand.u32 $0x70, s20  }
0x98: {  	s21 =	sand.u32 $0xFFFC000, s21;
	s20 =	sadd.s32 s3, s20  }
0x99: {  	s19 =	sadd.s32 $0x1, s19;
	s20 =	sadd.s32 s21, s20  }
0x9a: {  	[tilespmem:s14], [sflag:$0x2] =	stream.strided.gather [hbm4b:s20+s11], $0x4000, s12, s11, $0x38;
	[tilespmem:$0x10200] =	vst v63  }
.LBB2_11:
0x9b: {  	_ =	sfence.sel $0x180000  }
0x9c: {  	[bflag:$0x0] =	sbarrier.arrive $0xFFFF  }
0x9d: {  	p0 =	sne.s32 s0, $0x0;
	_ =	strace $0x90000047  }
0x9e: {  	s0 =	sadd.s32 @!p0 $0x100000, s2;
	[bflag:$0x2] =	sbarrier.arrive $0xFFFF  }
0x9f: {  	[sflag:s0] =	ssyncadd.tile.s32 @!p0 $0x1;
	_ =	shalt  }
.Lfunc_end2:
_tile_overlayer_lowered:
.L_overlay_start_2:
0xa0: {  	(tag) =	ssettag $0x2  }
0xa1: {  	s0 =	rddreg [dreg:$0x0];
	s2 =	stileid.u32  }
0xa2: {  	s1 =	rddreg [dreg:$0x1];
	p0 =	sne.s32 s2, $0x0  }
0xa3: {  	s3 =	rddreg [dreg:$0x2];
	[bflag:$0x3] =	sbarrier.arrive $0xFFFF;
	s2 =	simm.s32 @!p0 $0x1C03  }
0xa4: {  	[timem:s3], [sflag:s2] =	dma.local @!p0 [hbm:s0], s1  }
0xa5: {  	s0 =	simm.s32 @!p0 $0x3  }
0xa6: {  	_ =	swait.ge @!p0 [sflag:s0], s1  }
0xa7: {  	s1 =	ssub.s32 @!p0 $0x0, s1;
	[sflag:s0] =	ssyncset.done @!p0 $0x0  }
0xa8: {  	[sflag:s0] =	ssyncadd.s32 @!p0 s1  }
0xa9: {  	[bflag:$0x3] =	sbarrier.arrive $0xFFFF  }
0xaa: {  	_ =	shalt  }

</sc_bundles>
